<compile_context>
chip_gen: v7x
topology: tpu7x:2x2x1
jax: 0.10.2.dev20260603
libtpu: 0.0.44.dev20260713+nightly
codegen_flags: <defaults>
</compile_context>

<pallas_src>
import functools

import jax
import jax.numpy as jnp
from jax.experimental import pallas as pl
from jax.experimental.pallas import tpu as pltpu
from jax.experimental.pallas import tpu_sc as plsc

E = 64
D = 768
DFF = 2048
T = 2048
BT = 64
NB = T // BT + E
TP = NB * BT

_NC, _NS = 2, 16
_NW = _NC * _NS


def _routing_body(x_ref, rw_ref, eid_ref, wt_ref):
    x = x_ref[...]
    rw = rw_ref[...]
    logits = jax.lax.dot_general(
        x, rw, (((1,), (1,)), ((), ())),
        preferred_element_type=jnp.float32,
        precision=jax.lax.Precision.DEFAULT,
    )
    lmax = jnp.max(logits, axis=1, keepdims=True)
    sumexp = jnp.sum(jnp.exp(logits - lmax), axis=1, keepdims=True)
    iota = jax.lax.broadcasted_iota(jnp.int32, (T, E), 1)
    eid = jnp.min(jnp.where(logits == lmax, iota, E), axis=1, keepdims=True)
    eid_ref[...] = eid
    wt_ref[...] = 1.0 / sumexp


def _make_sc_row_gather(n_out, chunk):
    per_w = n_out // _NW
    nchunks = per_w // chunk
    mesh = plsc.VectorSubcoreMesh(
        core_axis_name="c",
        subcore_axis_name="s",
        num_cores=_NC,
        num_subcores=_NS,
    )

    @functools.partial(
        pl.kernel,
        mesh=mesh,
        out_type=jax.ShapeDtypeStruct((n_out, D), jnp.float32),
        scratch_types=[
            pltpu.VMEM((chunk,), jnp.int32),
            pltpu.VMEM((chunk, D), jnp.float32),
            pltpu.SemaphoreType.DMA,
        ],
    )
    def k(src_hbm, idx_hbm, out_hbm, idx_v, rows_v, sem):
        wid = jax.lax.axis_index("s") * _NC + jax.lax.axis_index("c")
        base = wid * per_w
        for c in range(nchunks):
            off = base + c * chunk
            pltpu.sync_copy(idx_hbm.at[pl.ds(off, chunk)], idx_v)
            pltpu.async_copy(src_hbm.at[idx_v], rows_v, sem).wait()
            pltpu.sync_copy(rows_v, out_hbm.at[pl.ds(off, chunk)])

    return k


_combine_gather = _make_sc_row_gather(T, BT)


def _y_copy(ybuf, y_hbm, sem, slot, row):
    return pltpu.make_async_copy(
        ybuf.at[slot], y_hbm.at[pl.ds(row * BT, BT), :], sem.at[slot]
    )


def _moe_body(
    nblk_ref,
    sblk_ref,
    toks_ref,
    wblk_ref,
    x_ref,
    g_hbm,
    u_hbm,
    d_hbm,
    y_hbm,
    gbuf,
    ubuf,
    dbuf,
    xbbuf,
    ybuf,
    wsem,
    ysem,
    rowring,
):
    def w_copies(ei, sl):
        cs = []
        for p in range(4):
            ff = pl.ds(p * (DFF // 4), DFF // 4)
            dd = pl.ds(p * (D // 4), D // 4)
            cs.append(
                pltpu.make_async_copy(
                    g_hbm.at[ei, ff, :], gbuf.at[sl, ff, :], wsem.at[sl]
                )
            )
            cs.append(
                pltpu.make_async_copy(
                    u_hbm.at[ei, ff, :], ubuf.at[sl, ff, :], wsem.at[sl]
                )
            )
            cs.append(
                pltpu.make_async_copy(
                    d_hbm.at[ei, dd, :], dbuf.at[sl, dd, :], wsem.at[sl]
                )
            )
        return cs

    for c in w_copies(0, 0):
        c.start()

    def expert_step(e, q0):
        slot = jax.lax.rem(e, 2)

        @pl.when(e + 1 < E)
        def _():
            for c in w_copies(e + 1, jax.lax.rem(e + 1, 2)):
                c.start()

        for c in w_copies(e, slot):
            c.wait()

        gw = gbuf[slot]
        uw = ubuf[slot]
        dw = dbuf[slot]
        s0 = sblk_ref[e]
        n = nblk_ref[e]

        def sub_block(k, q):
            row = s0 + k
            yslot = jax.lax.rem(q, 2)
            w = wblk_ref[pl.ds(row, 1), :][0]

            def grow(i, c):
                r = toks_ref[row * BT + i]
                xbbuf[pl.ds(i, 1), :] = x_ref[pl.ds(r, 1), :]
                return c

            jax.lax.fori_loop(0, BT, grow, 0)
            xb = xbbuf[...]
            hg = jax.lax.dot_general(
                xb, gw, (((1,), (1,)), ((), ())),
                preferred_element_type=jnp.float32,
                precision=jax.lax.Precision.DEFAULT,
            )
            hu = jax.lax.dot_general(
                xb, uw, (((1,), (1,)), ((), ())),
                preferred_element_type=jnp.float32,
                precision=jax.lax.Precision.DEFAULT,
            )
            h = hg * jax.nn.sigmoid(hg) * hu
            y = jax.lax.dot_general(
                h, dw, (((1,), (1,)), ((), ())),
                preferred_element_type=jnp.float32,
                precision=jax.lax.Precision.DEFAULT,
            )

            @pl.when(q >= 2)
            def _():
                _y_copy(ybuf, y_hbm, ysem, yslot, rowring[yslot]).wait()

            ybuf[pl.ds(yslot, 1), :, :] = (y * w[:, None])[None]
            _y_copy(ybuf, y_hbm, ysem, yslot, row).start()
            rowring[yslot] = row
            return q + 1

        return jax.lax.fori_loop(0, n, sub_block, q0)

    qf = jax.lax.fori_loop(0, E, expert_step, 0)

    @pl.when(qf >= 2)
    def _():
        sl = jax.lax.rem(qf, 2)
        _y_copy(ybuf, y_hbm, ysem, sl, rowring[sl]).wait()

    @pl.when(qf >= 1)
    def _():
        sl = jax.lax.rem(qf - 1, 2)
        _y_copy(ybuf, y_hbm, ysem, sl, rowring[sl]).wait()


@jax.jit
def kernel(hidden_states, router_W, gate_W, up_W, down_W):
    b, s, d = hidden_states.shape
    x = hidden_states.reshape(-1, d).astype(jnp.float32)

    eid2, wt2 = pl.pallas_call(
        _routing_body,
        out_shape=(
            jax.ShapeDtypeStruct((T, 1), jnp.int32),
            jax.ShapeDtypeStruct((T, 1), jnp.float32),
        ),
    )(x, router_W)
    eid = eid2[:, 0]
    wt = wt2[:, 0]

    perm = jnp.argsort(eid)
    counts = jnp.zeros((E,), jnp.int32).at[eid].add(1)
    offsets = jnp.concatenate(
        [jnp.zeros((1,), jnp.int32), jnp.cumsum(counts)[:-1]]
    )
    nblk = (counts + BT - 1) // BT
    cumblk = jnp.cumsum(nblk)
    sblk = (cumblk - nblk).astype(jnp.int32)
    total_blocks = cumblk[-1]
    jarr = jnp.arange(NB, dtype=jnp.int32)
    ej = jnp.searchsorted(cumblk, jarr, side="right").astype(jnp.int32)
    ej = jnp.where(jarr < total_blocks, ej, E - 1)
    within = jarr - (cumblk[ej] - nblk[ej])
    start = offsets[ej] + within * BT
    cnt = jnp.clip(counts[ej] - within * BT, 0, BT)
    cnt = jnp.where(jarr < total_blocks, cnt, 0)
    g = start[:, None] + jnp.arange(BT, dtype=jnp.int32)[None, :]
    validm = jnp.arange(BT, dtype=jnp.int32)[None, :] < cnt[:, None]
    tok = jnp.where(validm, perm[jnp.clip(g, 0, T - 1)], 0).astype(jnp.int32)
    tokf = tok.reshape(TP)
    validf = validm.reshape(TP)
    wblk = jnp.where(validf, wt[tokf], 0.0).astype(jnp.float32)
    pos = (
        jnp.zeros((T + 8,), jnp.int32)
        .at[jnp.where(validf, tokf, T)]
        .set(jnp.arange(TP, dtype=jnp.int32))[:T]
    )

    grid_spec = pltpu.PrefetchScalarGridSpec(
        num_scalar_prefetch=3,
        grid=(1,),
        in_specs=[
            pl.BlockSpec((NB, BT), lambda i, nb, sb, tk: (0, 0)),
            pl.BlockSpec((T, D), lambda i, nb, sb, tk: (0, 0)),
            pl.BlockSpec(memory_space=pl.ANY),
            pl.BlockSpec(memory_space=pl.ANY),
            pl.BlockSpec(memory_space=pl.ANY),
        ],
        out_specs=pl.BlockSpec(memory_space=pl.ANY),
        scratch_shapes=[
            pltpu.VMEM((2, DFF, D), jnp.float32),
            pltpu.VMEM((2, DFF, D), jnp.float32),
            pltpu.VMEM((2, D, DFF), jnp.float32),
            pltpu.VMEM((BT, D), jnp.float32),
            pltpu.VMEM((2, BT, D), jnp.float32),
            pltpu.SemaphoreType.DMA((2,)),
            pltpu.SemaphoreType.DMA((2,)),
            pltpu.SMEM((2,), jnp.int32),
        ],
    )
    y_sorted = pl.pallas_call(
        _moe_body,
        grid_spec=grid_spec,
        out_shape=jax.ShapeDtypeStruct((TP, D), jnp.float32),
        compiler_params=pltpu.CompilerParams(
            dimension_semantics=("arbitrary",),
            vmem_limit_bytes=120 * 1024 * 1024,
        ),
    )(
        nblk.astype(jnp.int32),
        sblk,
        tokf,
        wblk.reshape(NB, BT),
        x,
        gate_W,
        up_W,
        down_W,
    )

    out = _combine_gather(y_sorted, pos)
    return out.reshape(b, s, d)

# --- scband reference (transcript-rebuilt; emitter-appended) ---
"""Pipeline reference for scband-jamba-sparse-moe-block-27736898797983 (READ-ONLY COPY).

The authoritative reference and input builder live on the scoring server;
editing this copy changes nothing except your own understanding.
"""

import jax, jax.numpy as jnp
import numpy as np

E = 64
TOP_K = 1
D = 768
DFF = 2048
B, S = 1, 2048


def setup_inputs(seed: int = 0) -> dict:
    key = jax.random.key(seed)
    ks = jax.random.split(key, 5)
    hidden_states = jax.random.normal(ks[0], (B, S, D), dtype=jnp.float32)
    router_W = jax.random.normal(ks[1], (E, D), dtype=jnp.float32) * 0.02
    gate_W = jax.random.normal(ks[2], (E, DFF, D), dtype=jnp.float32) * 0.02
    up_W = jax.random.normal(ks[3], (E, DFF, D), dtype=jnp.float32) * 0.02
    down_W = jax.random.normal(ks[4], (E, D, DFF), dtype=jnp.float32) * 0.02
    return {"hidden_states": hidden_states, "router_W": router_W, "gate_W": gate_W, "up_W": up_W, "down_W": down_W}


def reference(hidden_states, router_W, gate_W, up_W, down_W):
    b, s, d = hidden_states.shape
    x = hidden_states.reshape(-1, d)
    router_logits = x @ router_W.T
    routing_probs = jax.nn.softmax(router_logits.astype(jnp.float32), axis=1)
    routing_weights, selected_experts = jax.lax.top_k(routing_probs, TOP_K)
    routing_weights = routing_weights.astype(x.dtype)
    final = jnp.zeros_like(x)
    for e in range(E):
        # torch.where(expert_mask[e]) with expert_mask[e] of shape [top_k, T]
        w = jnp.sum(
            jnp.where(selected_experts == e, routing_weights, jnp.zeros_like(routing_weights)),
            axis=1,
        )
        h = jax.nn.silu(x @ gate_W[e].T) * (x @ up_W[e].T)
        h = (h @ down_W[e].T) * w[:, None]
        final = final + h
    return final.reshape(b, s, d)

if __name__ == "__main__":
    import jax
    _d = setup_inputs()
    print(jax.jit(kernel)(*tuple(_d.values())))

</pallas_src>

<mosaic_0001>
#map = affine_map<(d0, d1) -> (0, 0)>
#map1 = affine_map<(d0, d1) -> (0)>
module attributes {stable_mosaic.version = 14 : i64} {
  func.func @k(%arg0: i32, %arg1: i32, %arg2: memref<6144x768xf32, #tpu.memory_space<hbm>>, %arg3: memref<2048xi32, #tpu.memory_space<hbm>>, %arg4: memref<2048x768xf32, #tpu.memory_space<hbm>>, %arg5: memref<64xi32, #tpu.memory_space<vmem>>, %arg6: memref<64x768xf32, #tpu.memory_space<vmem>>, %arg7: memref<!tpu.dma_semaphore, #tpu.memory_space<semaphore_mem>>) attributes {dimension_semantics = [#tpu.dimension_semantics<core_parallel>, #tpu.dimension_semantics<subcore_parallel>], iteration_bounds = array<i64: 2, 16>, scalar_prefetch = 0 : i64, scratch_operands = 3 : i64, tpu.core_type = #tpu.core_type<sc_vector_subcore>, window_params = [{transform_indices = #map}, {transform_indices = #map1}, {transform_indices = #map}]} {
    %mul3A = arith.constant 2 : i32
    %mul3A_0 = arith.muli %arg1, %mul3A : i32
    %add3A = arith.addi %mul3A_0, %arg0 : i32
    %mul3A_1 = arith.constant 64 : i32
    %mul3A_2 = arith.muli %add3A, %mul3A_1 : i32
    %add3A_3 = arith.constant 0 : i32
    %add3A_4 = arith.addi %mul3A_2, %add3A_3 : i32
    "tpu.region"() ({
      %run_scoped3A = tpu.sem_alloc : memref<!tpu.dma_semaphore, #tpu.memory_space<semaphore_mem>>
      %dma_start3A_9 = tpu.memref_slice %arg3[%add3A_4] : memref<2048xi32, #tpu.memory_space<hbm>> -> memref<64xi32, #tpu.memory_space<hbm>>
      %dma_start3A_10 = tpu.memref_slice %arg3[%add3A_4] : memref<2048xi32, #tpu.memory_space<hbm>> -> memref<64xi32, #tpu.memory_space<hbm>>
      tpu.enqueue_dma source(%dma_start3A_10 : memref<64xi32, #tpu.memory_space<hbm>>) target(%arg5 : memref<64xi32, #tpu.memory_space<vmem>>) target_semaphore(%run_scoped3A : memref<!tpu.dma_semaphore, #tpu.memory_space<semaphore_mem>>)
      %dma_wait3A_11 = tpu.memref_slice %arg3[%add3A_4] : memref<2048xi32, #tpu.memory_space<hbm>> -> memref<64xi32, #tpu.memory_space<hbm>>
      %dma_wait3A_12 = tpu.memref_slice %arg3[%add3A_4] : memref<2048xi32, #tpu.memory_space<hbm>> -> memref<64xi32, #tpu.memory_space<hbm>>
      tpu.wait_dma2 semaphore(%run_scoped3A : memref<!tpu.dma_semaphore, #tpu.memory_space<semaphore_mem>>) src(%dma_wait3A_12 : memref<64xi32, #tpu.memory_space<hbm>>) dst(%arg5 : memref<64xi32, #tpu.memory_space<vmem>>)
      tpu.yield
    }) : () -> ()
    %dma_start3A = arith.constant 0 : i32
    %dma_start3A_5 = arith.constant 0 : i32
    %dma_start3A_6 = tpu.memref_slice %arg2[%dma_start3A, %dma_start3A_5] : memref<6144x768xf32, #tpu.memory_space<hbm>> -> memref<6144x768xf32, #tpu.memory_space<hbm>>
    tpu.enqueue_indirect_dma source(%dma_start3A_6 : memref<6144x768xf32, #tpu.memory_space<hbm>>) target(%arg6 : memref<64x768xf32, #tpu.memory_space<vmem>>) offsets(%arg5 : memref<64xi32, #tpu.memory_space<vmem>>) semaphore(%arg7 : memref<!tpu.dma_semaphore, #tpu.memory_space<semaphore_mem>>)
    %dma_wait3A = arith.constant 0 : i32
    %dma_wait3A_7 = arith.constant 0 : i32
    %dma_wait3A_8 = tpu.memref_slice %arg2[%dma_wait3A, %dma_wait3A_7] : memref<6144x768xf32, #tpu.memory_space<hbm>> -> memref<6144x768xf32, #tpu.memory_space<hbm>>
    tpu.wait_indirect_dma semaphore(%arg7 : memref<!tpu.dma_semaphore, #tpu.memory_space<semaphore_mem>>) src(%dma_wait3A_8 : memref<6144x768xf32, #tpu.memory_space<hbm>>) dst(%arg6 : memref<64x768xf32, #tpu.memory_space<vmem>>)
    "tpu.region"() ({
      %run_scoped3A = tpu.sem_alloc : memref<!tpu.dma_semaphore, #tpu.memory_space<semaphore_mem>>
      %dma_start3A_9 = arith.constant 0 : i32
      %dma_start3A_10 = tpu.memref_slice %arg4[%add3A_4, %dma_start3A_9] : memref<2048x768xf32, #tpu.memory_space<hbm>> -> memref<64x768xf32, #tpu.memory_space<hbm>>
      %dma_start3A_11 = arith.constant 0 : i32
      %dma_start3A_12 = tpu.memref_slice %arg4[%add3A_4, %dma_start3A_11] : memref<2048x768xf32, #tpu.memory_space<hbm>> -> memref<64x768xf32, #tpu.memory_space<hbm>>
      tpu.enqueue_dma source(%arg6 : memref<64x768xf32, #tpu.memory_space<vmem>>) target(%dma_start3A_12 : memref<64x768xf32, #tpu.memory_space<hbm>>) target_semaphore(%run_scoped3A : memref<!tpu.dma_semaphore, #tpu.memory_space<semaphore_mem>>)
      %dma_wait3A_13 = arith.constant 0 : i32
      %dma_wait3A_14 = tpu.memref_slice %arg4[%add3A_4, %dma_wait3A_13] : memref<2048x768xf32, #tpu.memory_space<hbm>> -> memref<64x768xf32, #tpu.memory_space<hbm>>
      %dma_wait3A_15 = arith.constant 0 : i32
      %dma_wait3A_16 = tpu.memref_slice %arg4[%add3A_4, %dma_wait3A_15] : memref<2048x768xf32, #tpu.memory_space<hbm>> -> memref<64x768xf32, #tpu.memory_space<hbm>>
      tpu.wait_dma2 semaphore(%run_scoped3A : memref<!tpu.dma_semaphore, #tpu.memory_space<semaphore_mem>>) src(%arg6 : memref<64x768xf32, #tpu.memory_space<vmem>>) dst(%dma_wait3A_16 : memref<64x768xf32, #tpu.memory_space<hbm>>)
      tpu.yield
    }) : () -> ()
    return
  }
}

module attributes {stable_mosaic.version = 14 : i64} {
  func.func @_routing_body(%arg0: memref<2048x768xf32, #tpu.memory_space<vmem>>, %arg1: memref<64x768xf32, #tpu.memory_space<vmem>>, %arg2: memref<2048x1xi32, #tpu.memory_space<vmem>>, %arg3: memref<2048x1xf32, #tpu.memory_space<vmem>>) attributes {dimension_semantics = [], scalar_prefetch = 0 : i64, scratch_operands = 0 : i64, tpu.core_type = #tpu.core_type<tc>} {
    %get3A = arith.constant 0 : index
    %get3A_0 = arith.constant 0 : index
    %get3A_1 = vector.load %arg0[%get3A, %get3A_0] : memref<2048x768xf32, #tpu.memory_space<vmem>>, vector<2048x768xf32>
    %get3A_2 = arith.constant 0 : index
    %get3A_3 = arith.constant 0 : index
    %get3A_4 = vector.load %arg1[%get3A_2, %get3A_3] : memref<64x768xf32, #tpu.memory_space<vmem>>, vector<64x768xf32>
    %dot_general3A = arith.constant dense<0.000000e+00> : vector<2048x64xf32>
    %dot_general3A_5 = tpu.matmul %get3A_1, %get3A_4, %dot_general3A {dimension_numbers = #tpu.dot_dimension_numbers<[1], [1], [0], [0], [0, 0, 1, 0], [], []>, transpose_lhs_hint = false} : vector<2048x768xf32>, vector<64x768xf32>, vector<2048x64xf32> -> vector<2048x64xf32>
    %reduce_max3A = arith.constant dense<0xFF800000> : vector<2048xf32>
    %reduce_max3A_6 = vector.multi_reduction <maximumf>, %dot_general3A_5, %reduce_max3A [1] : vector<2048x64xf32> to vector<2048xf32>
    %broadcast_in_dim3A = vector.shape_cast %reduce_max3A_6 : vector<2048xf32> to vector<2048x1xf32>
    %sub3A = vector.broadcast %broadcast_in_dim3A : vector<2048x1xf32> to vector<2048x64xf32>
    %sub3A_7 = arith.subf %dot_general3A_5, %sub3A : vector<2048x64xf32>
    %exp3A = math.exp %sub3A_7 : vector<2048x64xf32>
    %reduce_sum3A = arith.constant dense<0.000000e+00> : vector<2048xf32>
    %reduce_sum3A_8 = vector.multi_reduction <add>, %exp3A, %reduce_sum3A [1] : vector<2048x64xf32> to vector<2048xf32>
    %broadcast_in_dim3A_9 = vector.shape_cast %reduce_sum3A_8 : vector<2048xf32> to vector<2048x1xf32>
    %iota3A = tpu.iota {dimensions = array<i32: 1>} : vector<2048x64xi32>
    %eq3A = vector.broadcast %broadcast_in_dim3A : vector<2048x1xf32> to vector<2048x64xf32>
    %eq3A_10 = arith.cmpf oeq, %dot_general3A_5, %eq3A : vector<2048x64xf32>
    %jit3A = arith.constant 64 : i32
    %broadcast_in_dim3A_11 = vector.broadcast %jit3A : i32 to vector<2048x64xi32>
    %select_n3A = arith.select %eq3A_10, %iota3A, %broadcast_in_dim3A_11 : vector<2048x64xi1>, vector<2048x64xi32>
    %reduce_min3A = arith.constant dense<2147483647> : vector<2048xi32>
    %reduce_min3A_12 = vector.multi_reduction <minsi>, %select_n3A, %reduce_min3A [1] : vector<2048x64xi32> to vector<2048xi32>
    %broadcast_in_dim3A_13 = vector.shape_cast %reduce_min3A_12 : vector<2048xi32> to vector<2048x1xi32>
    %swap3A = arith.constant 0 : index
    %swap3A_14 = arith.constant 0 : index
    %swap3A_15 = vector.load %arg2[%swap3A, %swap3A_14] : memref<2048x1xi32, #tpu.memory_space<vmem>>, vector<2048x1xi32>
    tpu.vector_store %arg2[%swap3A, %swap3A_14], %broadcast_in_dim3A_13 {strides = array<i32>} : memref<2048x1xi32, #tpu.memory_space<vmem>>, vector<2048x1xi32>,
    %div3A = arith.constant 1.000000e+00 : f32
    %div3A_16 = vector.broadcast %div3A : f32 to vector<2048x1xf32>
    %div3A_17 = arith.divf %div3A_16, %broadcast_in_dim3A_9 : vector<2048x1xf32>
    %swap3A_18 = arith.constant 0 : index
    %swap3A_19 = arith.constant 0 : index
    %swap3A_20 = vector.load %arg3[%swap3A_18, %swap3A_19] : memref<2048x1xf32, #tpu.memory_space<vmem>>, vector<2048x1xf32>
    tpu.vector_store %arg3[%swap3A_18, %swap3A_19], %div3A_17 {strides = array<i32>} : memref<2048x1xf32, #tpu.memory_space<vmem>>, vector<2048x1xf32>,
    return
  }
}

module attributes {stable_mosaic.version = 14 : i64} {
  func.func @_moe_body(%arg0: i32, %arg1: memref<64xi32, #tpu.memory_space<smem>>, %arg2: memref<64xi32, #tpu.memory_space<smem>>, %arg3: memref<6144xi32, #tpu.memory_space<smem>>, %arg4: memref<96x64xf32, #tpu.memory_space<vmem>>, %arg5: memref<2048x768xf32, #tpu.memory_space<vmem>>, %arg6: memref<64x2048x768xf32, #tpu.memory_space<any>>, %arg7: memref<64x2048x768xf32, #tpu.memory_space<any>>, %arg8: memref<64x768x2048xf32, #tpu.memory_space<any>>, %arg9: memref<6144x768xf32, #tpu.memory_space<any>>, %arg10: memref<2x2048x768xf32, #tpu.memory_space<vmem>>, %arg11: memref<2x2048x768xf32, #tpu.memory_space<vmem>>, %arg12: memref<2x768x2048xf32, #tpu.memory_space<vmem>>, %arg13: memref<64x768xf32, #tpu.memory_space<vmem>>, %arg14: memref<2x64x768xf32, #tpu.memory_space<vmem>>, %arg15: memref<2x!tpu.dma_semaphore, #tpu.memory_space<semaphore_mem>>, %arg16: memref<2x!tpu.dma_semaphore, #tpu.memory_space<semaphore_mem>>, %arg17: memref<2xi32, #tpu.memory_space<smem>>) attributes {dimension_semantics = [#tpu.dimension_semantics<arbitrary>], iteration_bounds = array<i64: 1>, scalar_prefetch = 3 : i64, scratch_operands = 8 : i64, tpu.core_type = #tpu.core_type<tc>, window_params = [{pipeline_mode = #tpu.pipeline_mode<synchronous>, transform_indices = @transform_0, window_bounds = array<i64: 96, 64>}, {pipeline_mode = #tpu.pipeline_mode<synchronous>, transform_indices = @transform_1, window_bounds = array<i64: 2048, 768>}, {}, {}, {}, {}]} {
    %dma_start3A = arith.constant 0 : i32
    %dma_start3A_0 = arith.constant 0 : i32
    %dma_start3A_1 = arith.constant 0 : i32
    %dma_start3A_2 = tpu.memref_slice %arg15[%dma_start3A_1] : memref<2x!tpu.dma_semaphore, #tpu.memory_space<semaphore_mem>> -> memref<1x!tpu.dma_semaphore, #tpu.memory_space<semaphore_mem>>
    %dma_start3A_3 = tpu.memref_squeeze %dma_start3A_2 : memref<1x!tpu.dma_semaphore, #tpu.memory_space<semaphore_mem>> -> memref<!tpu.dma_semaphore, #tpu.memory_space<semaphore_mem>>
    %dma_start3A_4 = arith.constant 0 : i32
    %dma_start3A_5 = arith.constant 0 : i32
    %dma_start3A_6 = tpu.memref_slice %arg10[%dma_start3A_0, %dma_start3A_4, %dma_start3A_5] : memref<2x2048x768xf32, #tpu.memory_space<vmem>> -> memref<1x512x768xf32, #tpu.memory_space<vmem>>
    %dma_start3A_7 = tpu.memref_squeeze %dma_start3A_6 : memref<1x512x768xf32, #tpu.memory_space<vmem>> -> memref<512x768xf32, #tpu.memory_space<vmem>>
    %dma_start3A_8 = arith.constant 0 : i32
    %dma_start3A_9 = arith.constant 0 : i32
    %dma_start3A_10 = tpu.memref_slice %arg6[%dma_start3A, %dma_start3A_8, %dma_start3A_9] : memref<64x2048x768xf32, #tpu.memory_space<any>> -> memref<1x512x768xf32, #tpu.memory_space<any>>
    %dma_start3A_11 = tpu.memref_squeeze %dma_start3A_10 : memref<1x512x768xf32, #tpu.memory_space<any>> -> memref<512x768xf32, #tpu.memory_space<any>>
    tpu.enqueue_dma source(%dma_start3A_11 : memref<512x768xf32, #tpu.memory_space<any>>) target(%dma_start3A_7 : memref<512x768xf32, #tpu.memory_space<vmem>>) target_semaphore(%dma_start3A_3 : memref<!tpu.dma_semaphore, #tpu.memory_space<semaphore_mem>>)
    %dma_start3A_12 = arith.constant 0 : i32
    %dma_start3A_13 = arith.constant 0 : i32
    %dma_start3A_14 = arith.constant 0 : i32
    %dma_start3A_15 = tpu.memref_slice %arg15[%dma_start3A_14] : memref<2x!tpu.dma_semaphore, #tpu.memory_space<semaphore_mem>> -> memref<1x!tpu.dma_semaphore, #tpu.memory_space<semaphore_mem>>
    %dma_start3A_16 = tpu.memref_squeeze %dma_start3A_15 : memref<1x!tpu.dma_semaphore, #tpu.memory_space<semaphore_mem>> -> memref<!tpu.dma_semaphore, #tpu.memory_space<semaphore_mem>>
    %dma_start3A_17 = arith.constant 0 : i32
    %dma_start3A_18 = arith.constant 0 : i32
    %dma_start3A_19 = tpu.memref_slice %arg11[%dma_start3A_13, %dma_start3A_17, %dma_start3A_18] : memref<2x2048x768xf32, #tpu.memory_space<vmem>> -> memref<1x512x768xf32, #tpu.memory_space<vmem>>
    %dma_start3A_20 = tpu.memref_squeeze %dma_start3A_19 : memref<1x512x768xf32, #tpu.memory_space<vmem>> -> memref<512x768xf32, #tpu.memory_space<vmem>>
    %dma_start3A_21 = arith.constant 0 : i32
    %dma_start3A_22 = arith.constant 0 : i32
    %dma_start3A_23 = tpu.memref_slice %arg7[%dma_start3A_12, %dma_start3A_21, %dma_start3A_22] : memref<64x2048x768xf32, #tpu.memory_space<any>> -> memref<1x512x768xf32, #tpu.memory_space<any>>
    %dma_start3A_24 = tpu.memref_squeeze %dma_start3A_23 : memref<1x512x768xf32, #tpu.memory_space<any>> -> memref<512x768xf32, #tpu.memory_space<any>>
    tpu.enqueue_dma source(%dma_start3A_24 : memref<512x768xf32, #tpu.memory_space<any>>) target(%dma_start3A_20 : memref<512x768xf32, #tpu.memory_space<vmem>>) target_semaphore(%dma_start3A_16 : memref<!tpu.dma_semaphore, #tpu.memory_space<semaphore_mem>>)
    %dma_start3A_25 = arith.constant 0 : i32
    %dma_start3A_26 = arith.constant 0 : i32
    %dma_start3A_27 = arith.constant 0 : i32
    %dma_start3A_28 = tpu.memref_slice %arg15[%dma_start3A_27] : memref<2x!tpu.dma_semaphore, #tpu.memory_space<semaphore_mem>> -> memref<1x!tpu.dma_semaphore, #tpu.memory_space<semaphore_mem>>
    %dma_start3A_29 = tpu.memref_squeeze %dma_start3A_28 : memref<1x!tpu.dma_semaphore, #tpu.memory_space<semaphore_mem>> -> memref<!tpu.dma_semaphore, #tpu.memory_space<semaphore_mem>>
    %dma_start3A_30 = arith.constant 0 : i32
    %dma_start3A_31 = arith.constant 0 : i32
    %dma_start3A_32 = tpu.memref_slice %arg12[%dma_start3A_26, %dma_start3A_30, %dma_start3A_31] : memref<2x768x2048xf32, #tpu.memory_space<vmem>> -> memref<1x192x2048xf32, #tpu.memory_space<vmem>>
    %dma_start3A_33 = tpu.memref_squeeze %dma_start3A_32 : memref<1x192x2048xf32, #tpu.memory_space<vmem>> -> memref<192x2048xf32, #tpu.memory_space<vmem>>
    %dma_start3A_34 = arith.constant 0 : i32
    %dma_start3A_35 = arith.constant 0 : i32
    %dma_start3A_36 = tpu.memref_slice %arg8[%dma_start3A_25, %dma_start3A_34, %dma_start3A_35] : memref<64x768x2048xf32, #tpu.memory_space<any>> -> memref<1x192x2048xf32, #tpu.memory_space<any>>
    %dma_start3A_37 = tpu.memref_squeeze %dma_start3A_36 : memref<1x192x2048xf32, #tpu.memory_space<any>> -> memref<192x2048xf32, #tpu.memory_space<any>>
    tpu.enqueue_dma source(%dma_start3A_37 : memref<192x2048xf32, #tpu.memory_space<any>>) target(%dma_start3A_33 : memref<192x2048xf32, #tpu.memory_space<vmem>>) target_semaphore(%dma_start3A_29 : memref<!tpu.dma_semaphore, #tpu.memory_space<semaphore_mem>>)
    %dma_start3A_38 = arith.constant 0 : i32
    %dma_start3A_39 = arith.constant 0 : i32
    %dma_start3A_40 = arith.constant 0 : i32
    %dma_start3A_41 = tpu.memref_slice %arg15[%dma_start3A_40] : memref<2x!tpu.dma_semaphore, #tpu.memory_space<semaphore_mem>> -> memref<1x!tpu.dma_semaphore, #tpu.memory_space<semaphore_mem>>
    %dma_start3A_42 = tpu.memref_squeeze %dma_start3A_41 : memref<1x!tpu.dma_semaphore, #tpu.memory_space<semaphore_mem>> -> memref<!tpu.dma_semaphore, #tpu.memory_space<semaphore_mem>>
    %dma_start3A_43 = arith.constant 512 : i32
    %dma_start3A_44 = arith.constant 0 : i32
    %dma_start3A_45 = tpu.memref_slice %arg10[%dma_start3A_39, %dma_start3A_43, %dma_start3A_44] : memref<2x2048x768xf32, #tpu.memory_space<vmem>> -> memref<1x512x768xf32, #tpu.memory_space<vmem>>
    %dma_start3A_46 = tpu.memref_squeeze %dma_start3A_45 : memref<1x512x768xf32, #tpu.memory_space<vmem>> -> memref<512x768xf32, #tpu.memory_space<vmem>>
    %dma_start3A_47 = arith.constant 512 : i32
    %dma_start3A_48 = arith.constant 0 : i32
    %dma_start3A_49 = tpu.memref_slice %arg6[%dma_start3A_38, %dma_start3A_47, %dma_start3A_48] : memref<64x2048x768xf32, #tpu.memory_space<any>> -> memref<1x512x768xf32, #tpu.memory_space<any>>
    %dma_start3A_50 = tpu.memref_squeeze %dma_start3A_49 : memref<1x512x768xf32, #tpu.memory_space<any>> -> memref<512x768xf32, #tpu.memory_space<any>>
    tpu.enqueue_dma source(%dma_start3A_50 : memref<512x768xf32, #tpu.memory_space<any>>) target(%dma_start3A_46 : memref<512x768xf32, #tpu.memory_space<vmem>>) target_semaphore(%dma_start3A_42 : memref<!tpu.dma_semaphore, #tpu.memory_space<semaphore_mem>>)
    %dma_start3A_51 = arith.constant 0 : i32
    %dma_start3A_52 = arith.constant 0 : i32
    %dma_start3A_53 = arith.constant 0 : i32
    %dma_start3A_54 = tpu.memref_slice %arg15[%dma_start3A_53] : memref<2x!tpu.dma_semaphore, #tpu.memory_space<semaphore_mem>> -> memref<1x!tpu.dma_semaphore, #tpu.memory_space<semaphore_mem>>
    %dma_start3A_55 = tpu.memref_squeeze %dma_start3A_54 : memref<1x!tpu.dma_semaphore, #tpu.memory_space<semaphore_mem>> -> memref<!tpu.dma_semaphore, #tpu.memory_space<semaphore_mem>>
    %dma_start3A_56 = arith.constant 512 : i32
    %dma_start3A_57 = arith.constant 0 : i32
    %dma_start3A_58 = tpu.memref_slice %arg11[%dma_start3A_52, %dma_start3A_56, %dma_start3A_57] : memref<2x2048x768xf32, #tpu.memory_space<vmem>> -> memref<1x512x768xf32, #tpu.memory_space<vmem>>
    %dma_start3A_59 = tpu.memref_squeeze %dma_start3A_58 : memref<1x512x768xf32, #tpu.memory_space<vmem>> -> memref<512x768xf32, #tpu.memory_space<vmem>>
    %dma_start3A_60 = arith.constant 512 : i32
    %dma_start3A_61 = arith.constant 0 : i32
    %dma_start3A_62 = tpu.memref_slice %arg7[%dma_start3A_51, %dma_start3A_60, %dma_start3A_61] : memref<64x2048x768xf32, #tpu.memory_space<any>> -> memref<1x512x768xf32, #tpu.memory_space<any>>
    %dma_start3A_63 = tpu.memref_squeeze %dma_start3A_62 : memref<1x512x768xf32, #tpu.memory_space<any>> -> memref<512x768xf32, #tpu.memory_space<any>>
    tpu.enqueue_dma source(%dma_start3A_63 : memref<512x768xf32, #tpu.memory_space<any>>) target(%dma_start3A_59 : memref<512x768xf32, #tpu.memory_space<vmem>>) target_semaphore(%dma_start3A_55 : memref<!tpu.dma_semaphore, #tpu.memory_space<semaphore_mem>>)
    %dma_start3A_64 = arith.constant 0 : i32
    %dma_start3A_65 = arith.constant 0 : i32
    %dma_start3A_66 = arith.constant 0 : i32
    %dma_start3A_67 = tpu.memref_slice %arg15[%dma_start3A_66] : memref<2x!tpu.dma_semaphore, #tpu.memory_space<semaphore_mem>> -> memref<1x!tpu.dma_semaphore, #tpu.memory_space<semaphore_mem>>
    %dma_start3A_68 = tpu.memref_squeeze %dma_start3A_67 : memref<1x!tpu.dma_semaphore, #tpu.memory_space<semaphore_mem>> -> memref<!tpu.dma_semaphore, #tpu.memory_space<semaphore_mem>>
    %dma_start3A_69 = arith.constant 192 : i32
    %dma_start3A_70 = arith.constant 0 : i32
    %dma_start3A_71 = tpu.memref_slice %arg12[%dma_start3A_65, %dma_start3A_69, %dma_start3A_70] : memref<2x768x2048xf32, #tpu.memory_space<vmem>> -> memref<1x192x2048xf32, #tpu.memory_space<vmem>>
    %dma_start3A_72 = tpu.memref_squeeze %dma_start3A_71 : memref<1x192x2048xf32, #tpu.memory_space<vmem>> -> memref<192x2048xf32, #tpu.memory_space<vmem>>
    %dma_start3A_73 = arith.constant 192 : i32
    %dma_start3A_74 = arith.constant 0 : i32
    %dma_start3A_75 = tpu.memref_slice %arg8[%dma_start3A_64, %dma_start3A_73, %dma_start3A_74] : memref<64x768x2048xf32, #tpu.memory_space<any>> -> memref<1x192x2048xf32, #tpu.memory_space<any>>
    %dma_start3A_76 = tpu.memref_squeeze %dma_start3A_75 : memref<1x192x2048xf32, #tpu.memory_space<any>> -> memref<192x2048xf32, #tpu.memory_space<any>>
    tpu.enqueue_dma source(%dma_start3A_76 : memref<192x2048xf32, #tpu.memory_space<any>>) target(%dma_start3A_72 : memref<192x2048xf32, #tpu.memory_space<vmem>>) target_semaphore(%dma_start3A_68 : memref<!tpu.dma_semaphore, #tpu.memory_space<semaphore_mem>>)
    %dma_start3A_77 = arith.constant 0 : i32
    %dma_start3A_78 = arith.constant 0 : i32
    %dma_start3A_79 = arith.constant 0 : i32
    %dma_start3A_80 = tpu.memref_slice %arg15[%dma_start3A_79] : memref<2x!tpu.dma_semaphore, #tpu.memory_space<semaphore_mem>> -> memref<1x!tpu.dma_semaphore, #tpu.memory_space<semaphore_mem>>
    %dma_start3A_81 = tpu.memref_squeeze %dma_start3A_80 : memref<1x!tpu.dma_semaphore, #tpu.memory_space<semaphore_mem>> -> memref<!tpu.dma_semaphore, #tpu.memory_space<semaphore_mem>>
    %dma_start3A_82 = arith.constant 1024 : i32
    %dma_start3A_83 = arith.constant 0 : i32
    %dma_start3A_84 = tpu.memref_slice %arg10[%dma_start3A_78, %dma_start3A_82, %dma_start3A_83] : memref<2x2048x768xf32, #tpu.memory_space<vmem>> -> memref<1x512x768xf32, #tpu.memory_space<vmem>>
    %dma_start3A_85 = tpu.memref_squeeze %dma_start3A_84 : memref<1x512x768xf32, #tpu.memory_space<vmem>> -> memref<512x768xf32, #tpu.memory_space<vmem>>
    %dma_start3A_86 = arith.constant 1024 : i32
    %dma_start3A_87 = arith.constant 0 : i32
    %dma_start3A_88 = tpu.memref_slice %arg6[%dma_start3A_77, %dma_start3A_86, %dma_start3A_87] : memref<64x2048x768xf32, #tpu.memory_space<any>> -> memref<1x512x768xf32, #tpu.memory_space<any>>
    %dma_start3A_89 = tpu.memref_squeeze %dma_start3A_88 : memref<1x512x768xf32, #tpu.memory_space<any>> -> memref<512x768xf32, #tpu.memory_space<any>>
    tpu.enqueue_dma source(%dma_start3A_89 : memref<512x768xf32, #tpu.memory_space<any>>) target(%dma_start3A_85 : memref<512x768xf32, #tpu.memory_space<vmem>>) target_semaphore(%dma_start3A_81 : memref<!tpu.dma_semaphore, #tpu.memory_space<semaphore_mem>>)
    %dma_start3A_90 = arith.constant 0 : i32
    %dma_start3A_91 = arith.constant 0 : i32
    %dma_start3A_92 = arith.constant 0 : i32
    %dma_start3A_93 = tpu.memref_slice %arg15[%dma_start3A_92] : memref<2x!tpu.dma_semaphore, #tpu.memory_space<semaphore_mem>> -> memref<1x!tpu.dma_semaphore, #tpu.memory_space<semaphore_mem>>
    %dma_start3A_94 = tpu.memref_squeeze %dma_start3A_93 : memref<1x!tpu.dma_semaphore, #tpu.memory_space<semaphore_mem>> -> memref<!tpu.dma_semaphore, #tpu.memory_space<semaphore_mem>>
    %dma_start3A_95 = arith.constant 1024 : i32
    %dma_start3A_96 = arith.constant 0 : i32
    %dma_start3A_97 = tpu.memref_slice %arg11[%dma_start3A_91, %dma_start3A_95, %dma_start3A_96] : memref<2x2048x768xf32, #tpu.memory_space<vmem>> -> memref<1x512x768xf32, #tpu.memory_space<vmem>>
    %dma_start3A_98 = tpu.memref_squeeze %dma_start3A_97 : memref<1x512x768xf32, #tpu.memory_space<vmem>> -> memref<512x768xf32, #tpu.memory_space<vmem>>
    %dma_start3A_99 = arith.constant 1024 : i32
    %dma_start3A_100 = arith.constant 0 : i32
    %dma_start3A_101 = tpu.memref_slice %arg7[%dma_start3A_90, %dma_start3A_99, %dma_start3A_100] : memref<64x2048x768xf32, #tpu.memory_space<any>> -> memref<1x512x768xf32, #tpu.memory_space<any>>
    %dma_start3A_102 = tpu.memref_squeeze %dma_start3A_101 : memref<1x512x768xf32, #tpu.memory_space<any>> -> memref<512x768xf32, #tpu.memory_space<any>>
    tpu.enqueue_dma source(%dma_start3A_102 : memref<512x768xf32, #tpu.memory_space<any>>) target(%dma_start3A_98 : memref<512x768xf32, #tpu.memory_space<vmem>>) target_semaphore(%dma_start3A_94 : memref<!tpu.dma_semaphore, #tpu.memory_space<semaphore_mem>>)
    %dma_start3A_103 = arith.constant 0 : i32
    %dma_start3A_104 = arith.constant 0 : i32
    %dma_start3A_105 = arith.constant 0 : i32
    %dma_start3A_106 = tpu.memref_slice %arg15[%dma_start3A_105] : memref<2x!tpu.dma_semaphore, #tpu.memory_space<semaphore_mem>> -> memref<1x!tpu.dma_semaphore, #tpu.memory_space<semaphore_mem>>
    %dma_start3A_107 = tpu.memref_squeeze %dma_start3A_106 : memref<1x!tpu.dma_semaphore, #tpu.memory_space<semaphore_mem>> -> memref<!tpu.dma_semaphore, #tpu.memory_space<semaphore_mem>>
    %dma_start3A_108 = arith.constant 384 : i32
    %dma_start3A_109 = arith.constant 0 : i32
    %dma_start3A_110 = tpu.memref_slice %arg12[%dma_start3A_104, %dma_start3A_108, %dma_start3A_109] : memref<2x768x2048xf32, #tpu.memory_space<vmem>> -> memref<1x192x2048xf32, #tpu.memory_space<vmem>>
    %dma_start3A_111 = tpu.memref_squeeze %dma_start3A_110 : memref<1x192x2048xf32, #tpu.memory_space<vmem>> -> memref<192x2048xf32, #tpu.memory_space<vmem>>
    %dma_start3A_112 = arith.constant 384 : i32
    %dma_start3A_113 = arith.constant 0 : i32
    %dma_start3A_114 = tpu.memref_slice %arg8[%dma_start3A_103, %dma_start3A_112, %dma_start3A_113] : memref<64x768x2048xf32, #tpu.memory_space<any>> -> memref<1x192x2048xf32, #tpu.memory_space<any>>
    %dma_start3A_115 = tpu.memref_squeeze %dma_start3A_114 : memref<1x192x2048xf32, #tpu.memory_space<any>> -> memref<192x2048xf32, #tpu.memory_space<any>>
    tpu.enqueue_dma source(%dma_start3A_115 : memref<192x2048xf32, #tpu.memory_space<any>>) target(%dma_start3A_111 : memref<192x2048xf32, #tpu.memory_space<vmem>>) target_semaphore(%dma_start3A_107 : memref<!tpu.dma_semaphore, #tpu.memory_space<semaphore_mem>>)
    %dma_start3A_116 = arith.constant 0 : i32
    %dma_start3A_117 = arith.constant 0 : i32
    %dma_start3A_118 = arith.constant 0 : i32
    %dma_start3A_119 = tpu.memref_slice %arg15[%dma_start3A_118] : memref<2x!tpu.dma_semaphore, #tpu.memory_space<semaphore_mem>> -> memref<1x!tpu.dma_semaphore, #tpu.memory_space<semaphore_mem>>
    %dma_start3A_120 = tpu.memref_squeeze %dma_start3A_119 : memref<1x!tpu.dma_semaphore, #tpu.memory_space<semaphore_mem>> -> memref<!tpu.dma_semaphore, #tpu.memory_space<semaphore_mem>>
    %dma_start3A_121 = arith.constant 1536 : i32
    %dma_start3A_122 = arith.constant 0 : i32
    %dma_start3A_123 = tpu.memref_slice %arg10[%dma_start3A_117, %dma_start3A_121, %dma_start3A_122] : memref<2x2048x768xf32, #tpu.memory_space<vmem>> -> memref<1x512x768xf32, #tpu.memory_space<vmem>>
    %dma_start3A_124 = tpu.memref_squeeze %dma_start3A_123 : memref<1x512x768xf32, #tpu.memory_space<vmem>> -> memref<512x768xf32, #tpu.memory_space<vmem>>
    %dma_start3A_125 = arith.constant 1536 : i32
    %dma_start3A_126 = arith.constant 0 : i32
    %dma_start3A_127 = tpu.memref_slice %arg6[%dma_start3A_116, %dma_start3A_125, %dma_start3A_126] : memref<64x2048x768xf32, #tpu.memory_space<any>> -> memref<1x512x768xf32, #tpu.memory_space<any>>
    %dma_start3A_128 = tpu.memref_squeeze %dma_start3A_127 : memref<1x512x768xf32, #tpu.memory_space<any>> -> memref<512x768xf32, #tpu.memory_space<any>>
    tpu.enqueue_dma source(%dma_start3A_128 : memref<512x768xf32, #tpu.memory_space<any>>) target(%dma_start3A_124 : memref<512x768xf32, #tpu.memory_space<vmem>>) target_semaphore(%dma_start3A_120 : memref<!tpu.dma_semaphore, #tpu.memory_space<semaphore_mem>>)
    %dma_start3A_129 = arith.constant 0 : i32
    %dma_start3A_130 = arith.constant 0 : i32
    %dma_start3A_131 = arith.constant 0 : i32
    %dma_start3A_132 = tpu.memref_slice %arg15[%dma_start3A_131] : memref<2x!tpu.dma_semaphore, #tpu.memory_space<semaphore_mem>> -> memref<1x!tpu.dma_semaphore, #tpu.memory_space<semaphore_mem>>
    %dma_start3A_133 = tpu.memref_squeeze %dma_start3A_132 : memref<1x!tpu.dma_semaphore, #tpu.memory_space<semaphore_mem>> -> memref<!tpu.dma_semaphore, #tpu.memory_space<semaphore_mem>>
    %dma_start3A_134 = arith.constant 1536 : i32
    %dma_start3A_135 = arith.constant 0 : i32
    %dma_start3A_136 = tpu.memref_slice %arg11[%dma_start3A_130, %dma_start3A_134, %dma_start3A_135] : memref<2x2048x768xf32, #tpu.memory_space<vmem>> -> memref<1x512x768xf32, #tpu.memory_space<vmem>>
    %dma_start3A_137 = tpu.memref_squeeze %dma_start3A_136 : memref<1x512x768xf32, #tpu.memory_space<vmem>> -> memref<512x768xf32, #tpu.memory_space<vmem>>
    %dma_start3A_138 = arith.constant 1536 : i32
    %dma_start3A_139 = arith.constant 0 : i32
    %dma_start3A_140 = tpu.memref_slice %arg7[%dma_start3A_129, %dma_start3A_138, %dma_start3A_139] : memref<64x2048x768xf32, #tpu.memory_space<any>> -> memref<1x512x768xf32, #tpu.memory_space<any>>
    %dma_start3A_141 = tpu.memref_squeeze %dma_start3A_140 : memref<1x512x768xf32, #tpu.memory_space<any>> -> memref<512x768xf32, #tpu.memory_space<any>>
    tpu.enqueue_dma source(%dma_start3A_141 : memref<512x768xf32, #tpu.memory_space<any>>) target(%dma_start3A_137 : memref<512x768xf32, #tpu.memory_space<vmem>>) target_semaphore(%dma_start3A_133 : memref<!tpu.dma_semaphore, #tpu.memory_space<semaphore_mem>>)
    %dma_start3A_142 = arith.constant 0 : i32
    %dma_start3A_143 = arith.constant 0 : i32
    %dma_start3A_144 = arith.constant 0 : i32
    %dma_start3A_145 = tpu.memref_slice %arg15[%dma_start3A_144] : memref<2x!tpu.dma_semaphore, #tpu.memory_space<semaphore_mem>> -> memref<1x!tpu.dma_semaphore, #tpu.memory_space<semaphore_mem>>
    %dma_start3A_146 = tpu.memref_squeeze %dma_start3A_145 : memref<1x!tpu.dma_semaphore, #tpu.memory_space<semaphore_mem>> -> memref<!tpu.dma_semaphore, #tpu.memory_space<semaphore_mem>>
    %dma_start3A_147 = arith.constant 576 : i32
    %dma_start3A_148 = arith.constant 0 : i32
    %dma_start3A_149 = tpu.memref_slice %arg12[%dma_start3A_143, %dma_start3A_147, %dma_start3A_148] : memref<2x768x2048xf32, #tpu.memory_space<vmem>> -> memref<1x192x2048xf32, #tpu.memory_space<vmem>>
    %dma_start3A_150 = tpu.memref_squeeze %dma_start3A_149 : memref<1x192x2048xf32, #tpu.memory_space<vmem>> -> memref<192x2048xf32, #tpu.memory_space<vmem>>
    %dma_start3A_151 = arith.constant 576 : i32
    %dma_start3A_152 = arith.constant 0 : i32
    %dma_start3A_153 = tpu.memref_slice %arg8[%dma_start3A_142, %dma_start3A_151, %dma_start3A_152] : memref<64x768x2048xf32, #tpu.memory_space<any>> -> memref<1x192x2048xf32, #tpu.memory_space<any>>
    %dma_start3A_154 = tpu.memref_squeeze %dma_start3A_153 : memref<1x192x2048xf32, #tpu.memory_space<any>> -> memref<192x2048xf32, #tpu.memory_space<any>>
    tpu.enqueue_dma source(%dma_start3A_154 : memref<192x2048xf32, #tpu.memory_space<any>>) target(%dma_start3A_150 : memref<192x2048xf32, #tpu.memory_space<vmem>>) target_semaphore(%dma_start3A_146 : memref<!tpu.dma_semaphore, #tpu.memory_space<semaphore_mem>>)
    %scan3A = arith.constant 0 : i32
    %scan3A_155 = arith.constant 0 : i32
    %scan3A_156 = arith.constant 64 : i32
    %scan3A_157 = arith.addi %scan3A_155, %scan3A_156 : i32
    %scan3A_158 = arith.constant 1 : i32
    %scan3A_159 = scf.for %scan3A_168 = %scan3A_155 to %scan3A_157 step %scan3A_158 iter_args(%scan3A_169 = %scan3A) -> (i32)  : i32 {
      %rem3A = arith.constant 2 : i32
      %rem3A_170 = arith.remsi %scan3A_168, %rem3A : i32
      %add3A = arith.constant 1 : i32
      %add3A_171 = arith.addi %scan3A_168, %add3A : i32
      %lt3A = arith.constant 64 : i32
      %lt3A_172 = arith.cmpi slt, %add3A_171, %lt3A : i32
      %convert_element_type3A_173 = arith.extui %lt3A_172 : i1 to i32
      %cond3A_174 = arith.constant 0 : i32
      %cond3A_175 = arith.cmpi ne, %convert_element_type3A_173, %cond3A_174 : i32
      scf.if %cond3A_175 {
        %add3A_323 = arith.constant 1 : i32
        %add3A_324 = arith.addi %scan3A_168, %add3A_323 : i32
        %add3A_325 = arith.constant 1 : i32
        %add3A_326 = arith.addi %scan3A_168, %add3A_325 : i32
        %rem3A_327 = arith.constant 2 : i32
        %rem3A_328 = arith.remsi %add3A_326, %rem3A_327 : i32
        %dma_start3A_329 = tpu.memref_slice %arg15[%rem3A_328] : memref<2x!tpu.dma_semaphore, #tpu.memory_space<semaphore_mem>> -> memref<1x!tpu.dma_semaphore, #tpu.memory_space<semaphore_mem>>
        %dma_start3A_330 = tpu.memref_squeeze %dma_start3A_329 : memref<1x!tpu.dma_semaphore, #tpu.memory_space<semaphore_mem>> -> memref<!tpu.dma_semaphore, #tpu.memory_space<semaphore_mem>>
        %dma_start3A_331 = arith.constant 0 : i32
        %dma_start3A_332 = arith.constant 0 : i32
        %dma_start3A_333 = tpu.memref_slice %arg10[%rem3A_328, %dma_start3A_331, %dma_start3A_332] : memref<2x2048x768xf32, #tpu.memory_space<vmem>> -> memref<1x512x768xf32, #tpu.memory_space<vmem>>
        %dma_start3A_334 = tpu.memref_squeeze %dma_start3A_333 : memref<1x512x768xf32, #tpu.memory_space<vmem>> -> memref<512x768xf32, #tpu.memory_space<vmem>>
        %dma_start3A_335 = arith.constant 0 : i32
        %dma_start3A_336 = arith.constant 0 : i32
        %dma_start3A_337 = tpu.memref_slice %arg6[%add3A_324, %dma_start3A_335, %dma_start3A_336] : memref<64x2048x768xf32, #tpu.memory_space<any>> -> memref<1x512x768xf32, #tpu.memory_space<any>>
        %dma_start3A_338 = tpu.memref_squeeze %dma_start3A_337 : memref<1x512x768xf32, #tpu.memory_space<any>> -> memref<512x768xf32, #tpu.memory_space<any>>
        tpu.enqueue_dma source(%dma_start3A_338 : memref<512x768xf32, #tpu.memory_space<any>>) target(%dma_start3A_334 : memref<512x768xf32, #tpu.memory_space<vmem>>) target_semaphore(%dma_start3A_330 : memref<!tpu.dma_semaphore, #tpu.memory_space<semaphore_mem>>)
        %dma_start3A_339 = tpu.memref_slice %arg15[%rem3A_328] : memref<2x!tpu.dma_semaphore, #tpu.memory_space<semaphore_mem>> -> memref<1x!tpu.dma_semaphore, #tpu.memory_space<semaphore_mem>>
        %dma_start3A_340 = tpu.memref_squeeze %dma_start3A_339 : memref<1x!tpu.dma_semaphore, #tpu.memory_space<semaphore_mem>> -> memref<!tpu.dma_semaphore, #tpu.memory_space<semaphore_mem>>
        %dma_start3A_341 = arith.constant 0 : i32
        %dma_start3A_342 = arith.constant 0 : i32
        %dma_start3A_343 = tpu.memref_slice %arg11[%rem3A_328, %dma_start3A_341, %dma_start3A_342] : memref<2x2048x768xf32, #tpu.memory_space<vmem>> -> memref<1x512x768xf32, #tpu.memory_space<vmem>>
        %dma_start3A_344 = tpu.memref_squeeze %dma_start3A_343 : memref<1x512x768xf32, #tpu.memory_space<vmem>> -> memref<512x768xf32, #tpu.memory_space<vmem>>
        %dma_start3A_345 = arith.constant 0 : i32
        %dma_start3A_346 = arith.constant 0 : i32
        %dma_start3A_347 = tpu.memref_slice %arg7[%add3A_324, %dma_start3A_345, %dma_start3A_346] : memref<64x2048x768xf32, #tpu.memory_space<any>> -> memref<1x512x768xf32, #tpu.memory_space<any>>
        %dma_start3A_348 = tpu.memref_squeeze %dma_start3A_347 : memref<1x512x768xf32, #tpu.memory_space<any>> -> memref<512x768xf32, #tpu.memory_space<any>>
        tpu.enqueue_dma source(%dma_start3A_348 : memref<512x768xf32, #tpu.memory_space<any>>) target(%dma_start3A_344 : memref<512x768xf32, #tpu.memory_space<vmem>>) target_semaphore(%dma_start3A_340 : memref<!tpu.dma_semaphore, #tpu.memory_space<semaphore_mem>>)
        %dma_start3A_349 = tpu.memref_slice %arg15[%rem3A_328] : memref<2x!tpu.dma_semaphore, #tpu.memory_space<semaphore_mem>> -> memref<1x!tpu.dma_semaphore, #tpu.memory_space<semaphore_mem>>
        %dma_start3A_350 = tpu.memref_squeeze %dma_start3A_349 : memref<1x!tpu.dma_semaphore, #tpu.memory_space<semaphore_mem>> -> memref<!tpu.dma_semaphore, #tpu.memory_space<semaphore_mem>>
        %dma_start3A_351 = arith.constant 0 : i32
        %dma_start3A_352 = arith.constant 0 : i32
        %dma_start3A_353 = tpu.memref_slice %arg12[%rem3A_328, %dma_start3A_351, %dma_start3A_352] : memref<2x768x2048xf32, #tpu.memory_space<vmem>> -> memref<1x192x2048xf32, #tpu.memory_space<vmem>>
        %dma_start3A_354 = tpu.memref_squeeze %dma_start3A_353 : memref<1x192x2048xf32, #tpu.memory_space<vmem>> -> memref<192x2048xf32, #tpu.memory_space<vmem>>
        %dma_start3A_355 = arith.constant 0 : i32
        %dma_start3A_356 = arith.constant 0 : i32
        %dma_start3A_357 = tpu.memref_slice %arg8[%add3A_324, %dma_start3A_355, %dma_start3A_356] : memref<64x768x2048xf32, #tpu.memory_space<any>> -> memref<1x192x2048xf32, #tpu.memory_space<any>>
        %dma_start3A_358 = tpu.memref_squeeze %dma_start3A_357 : memref<1x192x2048xf32, #tpu.memory_space<any>> -> memref<192x2048xf32, #tpu.memory_space<any>>
        tpu.enqueue_dma source(%dma_start3A_358 : memref<192x2048xf32, #tpu.memory_space<any>>) target(%dma_start3A_354 : memref<192x2048xf32, #tpu.memory_space<vmem>>) target_semaphore(%dma_start3A_350 : memref<!tpu.dma_semaphore, #tpu.memory_space<semaphore_mem>>)
        %dma_start3A_359 = tpu.memref_slice %arg15[%rem3A_328] : memref<2x!tpu.dma_semaphore, #tpu.memory_space<semaphore_mem>> -> memref<1x!tpu.dma_semaphore, #tpu.memory_space<semaphore_mem>>
        %dma_start3A_360 = tpu.memref_squeeze %dma_start3A_359 : memref<1x!tpu.dma_semaphore, #tpu.memory_space<semaphore_mem>> -> memref<!tpu.dma_semaphore, #tpu.memory_space<semaphore_mem>>
        %dma_start3A_361 = arith.constant 512 : i32
        %dma_start3A_362 = arith.constant 0 : i32
        %dma_start3A_363 = tpu.memref_slice %arg10[%rem3A_328, %dma_start3A_361, %dma_start3A_362] : memref<2x2048x768xf32, #tpu.memory_space<vmem>> -> memref<1x512x768xf32, #tpu.memory_space<vmem>>
        %dma_start3A_364 = tpu.memref_squeeze %dma_start3A_363 : memref<1x512x768xf32, #tpu.memory_space<vmem>> -> memref<512x768xf32, #tpu.memory_space<vmem>>
        %dma_start3A_365 = arith.constant 512 : i32
        %dma_start3A_366 = arith.constant 0 : i32
        %dma_start3A_367 = tpu.memref_slice %arg6[%add3A_324, %dma_start3A_365, %dma_start3A_366] : memref<64x2048x768xf32, #tpu.memory_space<any>> -> memref<1x512x768xf32, #tpu.memory_space<any>>
        %dma_start3A_368 = tpu.memref_squeeze %dma_start3A_367 : memref<1x512x768xf32, #tpu.memory_space<any>> -> memref<512x768xf32, #tpu.memory_space<any>>
        tpu.enqueue_dma source(%dma_start3A_368 : memref<512x768xf32, #tpu.memory_space<any>>) target(%dma_start3A_364 : memref<512x768xf32, #tpu.memory_space<vmem>>) target_semaphore(%dma_start3A_360 : memref<!tpu.dma_semaphore, #tpu.memory_space<semaphore_mem>>)
        %dma_start3A_369 = tpu.memref_slice %arg15[%rem3A_328] : memref<2x!tpu.dma_semaphore, #tpu.memory_space<semaphore_mem>> -> memref<1x!tpu.dma_semaphore, #tpu.memory_space<semaphore_mem>>
        %dma_start3A_370 = tpu.memref_squeeze %dma_start3A_369 : memref<1x!tpu.dma_semaphore, #tpu.memory_space<semaphore_mem>> -> memref<!tpu.dma_semaphore, #tpu.memory_space<semaphore_mem>>
        %dma_start3A_371 = arith.constant 512 : i32
        %dma_start3A_372 = arith.constant 0 : i32
        %dma_start3A_373 = tpu.memref_slice %arg11[%rem3A_328, %dma_start3A_371, %dma_start3A_372] : memref<2x2048x768xf32, #tpu.memory_space<vmem>> -> memref<1x512x768xf32, #tpu.memory_space<vmem>>
        %dma_start3A_374 = tpu.memref_squeeze %dma_start3A_373 : memref<1x512x768xf32, #tpu.memory_space<vmem>> -> memref<512x768xf32, #tpu.memory_space<vmem>>
        %dma_start3A_375 = arith.constant 512 : i32
        %dma_start3A_376 = arith.constant 0 : i32
        %dma_start3A_377 = tpu.memref_slice %arg7[%add3A_324, %dma_start3A_375, %dma_start3A_376] : memref<64x2048x768xf32, #tpu.memory_space<any>> -> memref<1x512x768xf32, #tpu.memory_space<any>>
        %dma_start3A_378 = tpu.memref_squeeze %dma_start3A_377 : memref<1x512x768xf32, #tpu.memory_space<any>> -> memref<512x768xf32, #tpu.memory_space<any>>
        tpu.enqueue_dma source(%dma_start3A_378 : memref<512x768xf32, #tpu.memory_space<any>>) target(%dma_start3A_374 : memref<512x768xf32, #tpu.memory_space<vmem>>) target_semaphore(%dma_start3A_370 : memref<!tpu.dma_semaphore, #tpu.memory_space<semaphore_mem>>)
        %dma_start3A_379 = tpu.memref_slice %arg15[%rem3A_328] : memref<2x!tpu.dma_semaphore, #tpu.memory_space<semaphore_mem>> -> memref<1x!tpu.dma_semaphore, #tpu.memory_space<semaphore_mem>>
        %dma_start3A_380 = tpu.memref_squeeze %dma_start3A_379 : memref<1x!tpu.dma_semaphore, #tpu.memory_space<semaphore_mem>> -> memref<!tpu.dma_semaphore, #tpu.memory_space<semaphore_mem>>
        %dma_start3A_381 = arith.constant 192 : i32
        %dma_start3A_382 = arith.constant 0 : i32
        %dma_start3A_383 = tpu.memref_slice %arg12[%rem3A_328, %dma_start3A_381, %dma_start3A_382] : memref<2x768x2048xf32, #tpu.memory_space<vmem>> -> memref<1x192x2048xf32, #tpu.memory_space<vmem>>
        %dma_start3A_384 = tpu.memref_squeeze %dma_start3A_383 : memref<1x192x2048xf32, #tpu.memory_space<vmem>> -> memref<192x2048xf32, #tpu.memory_space<vmem>>
        %dma_start3A_385 = arith.constant 192 : i32
        %dma_start3A_386 = arith.constant 0 : i32
        %dma_start3A_387 = tpu.memref_slice %arg8[%add3A_324, %dma_start3A_385, %dma_start3A_386] : memref<64x768x2048xf32, #tpu.memory_space<any>> -> memref<1x192x2048xf32, #tpu.memory_space<any>>
        %dma_start3A_388 = tpu.memref_squeeze %dma_start3A_387 : memref<1x192x2048xf32, #tpu.memory_space<any>> -> memref<192x2048xf32, #tpu.memory_space<any>>
        tpu.enqueue_dma source(%dma_start3A_388 : memref<192x2048xf32, #tpu.memory_space<any>>) target(%dma_start3A_384 : memref<192x2048xf32, #tpu.memory_space<vmem>>) target_semaphore(%dma_start3A_380 : memref<!tpu.dma_semaphore, #tpu.memory_space<semaphore_mem>>)
        %dma_start3A_389 = tpu.memref_slice %arg15[%rem3A_328] : memref<2x!tpu.dma_semaphore, #tpu.memory_space<semaphore_mem>> -> memref<1x!tpu.dma_semaphore, #tpu.memory_space<semaphore_mem>>
        %dma_start3A_390 = tpu.memref_squeeze %dma_start3A_389 : memref<1x!tpu.dma_semaphore, #tpu.memory_space<semaphore_mem>> -> memref<!tpu.dma_semaphore, #tpu.memory_space<semaphore_mem>>
        %dma_start3A_391 = arith.constant 1024 : i32
        %dma_start3A_392 = arith.constant 0 : i32
        %dma_start3A_393 = tpu.memref_slice %arg10[%rem3A_328, %dma_start3A_391, %dma_start3A_392] : memref<2x2048x768xf32, #tpu.memory_space<vmem>> -> memref<1x512x768xf32, #tpu.memory_space<vmem>>
        %dma_start3A_394 = tpu.memref_squeeze %dma_start3A_393 : memref<1x512x768xf32, #tpu.memory_space<vmem>> -> memref<512x768xf32, #tpu.memory_space<vmem>>
        %dma_start3A_395 = arith.constant 1024 : i32
        %dma_start3A_396 = arith.constant 0 : i32
        %dma_start3A_397 = tpu.memref_slice %arg6[%add3A_324, %dma_start3A_395, %dma_start3A_396] : memref<64x2048x768xf32, #tpu.memory_space<any>> -> memref<1x512x768xf32, #tpu.memory_space<any>>
        %dma_start3A_398 = tpu.memref_squeeze %dma_start3A_397 : memref<1x512x768xf32, #tpu.memory_space<any>> -> memref<512x768xf32, #tpu.memory_space<any>>
        tpu.enqueue_dma source(%dma_start3A_398 : memref<512x768xf32, #tpu.memory_space<any>>) target(%dma_start3A_394 : memref<512x768xf32, #tpu.memory_space<vmem>>) target_semaphore(%dma_start3A_390 : memref<!tpu.dma_semaphore, #tpu.memory_space<semaphore_mem>>)
        %dma_start3A_399 = tpu.memref_slice %arg15[%rem3A_328] : memref<2x!tpu.dma_semaphore, #tpu.memory_space<semaphore_mem>> -> memref<1x!tpu.dma_semaphore, #tpu.memory_space<semaphore_mem>>
        %dma_start3A_400 = tpu.memref_squeeze %dma_start3A_399 : memref<1x!tpu.dma_semaphore, #tpu.memory_space<semaphore_mem>> -> memref<!tpu.dma_semaphore, #tpu.memory_space<semaphore_mem>>
        %dma_start3A_401 = arith.constant 1024 : i32
        %dma_start3A_402 = arith.constant 0 : i32
        %dma_start3A_403 = tpu.memref_slice %arg11[%rem3A_328, %dma_start3A_401, %dma_start3A_402] : memref<2x2048x768xf32, #tpu.memory_space<vmem>> -> memref<1x512x768xf32, #tpu.memory_space<vmem>>
        %dma_start3A_404 = tpu.memref_squeeze %dma_start3A_403 : memref<1x512x768xf32, #tpu.memory_space<vmem>> -> memref<512x768xf32, #tpu.memory_space<vmem>>
        %dma_start3A_405 = arith.constant 1024 : i32
        %dma_start3A_406 = arith.constant 0 : i32
        %dma_start3A_407 = tpu.memref_slice %arg7[%add3A_324, %dma_start3A_405, %dma_start3A_406] : memref<64x2048x768xf32, #tpu.memory_space<any>> -> memref<1x512x768xf32, #tpu.memory_space<any>>
        %dma_start3A_408 = tpu.memref_squeeze %dma_start3A_407 : memref<1x512x768xf32, #tpu.memory_space<any>> -> memref<512x768xf32, #tpu.memory_space<any>>
        tpu.enqueue_dma source(%dma_start3A_408 : memref<512x768xf32, #tpu.memory_space<any>>) target(%dma_start3A_404 : memref<512x768xf32, #tpu.memory_space<vmem>>) target_semaphore(%dma_start3A_400 : memref<!tpu.dma_semaphore, #tpu.memory_space<semaphore_mem>>)
        %dma_start3A_409 = tpu.memref_slice %arg15[%rem3A_328] : memref<2x!tpu.dma_semaphore, #tpu.memory_space<semaphore_mem>> -> memref<1x!tpu.dma_semaphore, #tpu.memory_space<semaphore_mem>>
        %dma_start3A_410 = tpu.memref_squeeze %dma_start3A_409 : memref<1x!tpu.dma_semaphore, #tpu.memory_space<semaphore_mem>> -> memref<!tpu.dma_semaphore, #tpu.memory_space<semaphore_mem>>
        %dma_start3A_411 = arith.constant 384 : i32
        %dma_start3A_412 = arith.constant 0 : i32
        %dma_start3A_413 = tpu.memref_slice %arg12[%rem3A_328, %dma_start3A_411, %dma_start3A_412] : memref<2x768x2048xf32, #tpu.memory_space<vmem>> -> memref<1x192x2048xf32, #tpu.memory_space<vmem>>
        %dma_start3A_414 = tpu.memref_squeeze %dma_start3A_413 : memref<1x192x2048xf32, #tpu.memory_space<vmem>> -> memref<192x2048xf32, #tpu.memory_space<vmem>>
        %dma_start3A_415 = arith.constant 384 : i32
        %dma_start3A_416 = arith.constant 0 : i32
        %dma_start3A_417 = tpu.memref_slice %arg8[%add3A_324, %dma_start3A_415, %dma_start3A_416] : memref<64x768x2048xf32, #tpu.memory_space<any>> -> memref<1x192x2048xf32, #tpu.memory_space<any>>
        %dma_start3A_418 = tpu.memref_squeeze %dma_start3A_417 : memref<1x192x2048xf32, #tpu.memory_space<any>> -> memref<192x2048xf32, #tpu.memory_space<any>>
        tpu.enqueue_dma source(%dma_start3A_418 : memref<192x2048xf32, #tpu.memory_space<any>>) target(%dma_start3A_414 : memref<192x2048xf32, #tpu.memory_space<vmem>>) target_semaphore(%dma_start3A_410 : memref<!tpu.dma_semaphore, #tpu.memory_space<semaphore_mem>>)
        %dma_start3A_419 = tpu.memref_slice %arg15[%rem3A_328] : memref<2x!tpu.dma_semaphore, #tpu.memory_space<semaphore_mem>> -> memref<1x!tpu.dma_semaphore, #tpu.memory_space<semaphore_mem>>
        %dma_start3A_420 = tpu.memref_squeeze %dma_start3A_419 : memref<1x!tpu.dma_semaphore, #tpu.memory_space<semaphore_mem>> -> memref<!tpu.dma_semaphore, #tpu.memory_space<semaphore_mem>>
        %dma_start3A_421 = arith.constant 1536 : i32
        %dma_start3A_422 = arith.constant 0 : i32
        %dma_start3A_423 = tpu.memref_slice %arg10[%rem3A_328, %dma_start3A_421, %dma_start3A_422] : memref<2x2048x768xf32, #tpu.memory_space<vmem>> -> memref<1x512x768xf32, #tpu.memory_space<vmem>>
        %dma_start3A_424 = tpu.memref_squeeze %dma_start3A_423 : memref<1x512x768xf32, #tpu.memory_space<vmem>> -> memref<512x768xf32, #tpu.memory_space<vmem>>
        %dma_start3A_425 = arith.constant 1536 : i32
        %dma_start3A_426 = arith.constant 0 : i32
        %dma_start3A_427 = tpu.memref_slice %arg6[%add3A_324, %dma_start3A_425, %dma_start3A_426] : memref<64x2048x768xf32, #tpu.memory_space<any>> -> memref<1x512x768xf32, #tpu.memory_space<any>>
        %dma_start3A_428 = tpu.memref_squeeze %dma_start3A_427 : memref<1x512x768xf32, #tpu.memory_space<any>> -> memref<512x768xf32, #tpu.memory_space<any>>
        tpu.enqueue_dma source(%dma_start3A_428 : memref<512x768xf32, #tpu.memory_space<any>>) target(%dma_start3A_424 : memref<512x768xf32, #tpu.memory_space<vmem>>) target_semaphore(%dma_start3A_420 : memref<!tpu.dma_semaphore, #tpu.memory_space<semaphore_mem>>)
        %dma_start3A_429 = tpu.memref_slice %arg15[%rem3A_328] : memref<2x!tpu.dma_semaphore, #tpu.memory_space<semaphore_mem>> -> memref<1x!tpu.dma_semaphore, #tpu.memory_space<semaphore_mem>>
        %dma_start3A_430 = tpu.memref_squeeze %dma_start3A_429 : memref<1x!tpu.dma_semaphore, #tpu.memory_space<semaphore_mem>> -> memref<!tpu.dma_semaphore, #tpu.memory_space<semaphore_mem>>
        %dma_start3A_431 = arith.constant 1536 : i32
        %dma_start3A_432 = arith.constant 0 : i32
        %dma_start3A_433 = tpu.memref_slice %arg11[%rem3A_328, %dma_start3A_431, %dma_start3A_432] : memref<2x2048x768xf32, #tpu.memory_space<vmem>> -> memref<1x512x768xf32, #tpu.memory_space<vmem>>
        %dma_start3A_434 = tpu.memref_squeeze %dma_start3A_433 : memref<1x512x768xf32, #tpu.memory_space<vmem>> -> memref<512x768xf32, #tpu.memory_space<vmem>>
        %dma_start3A_435 = arith.constant 1536 : i32
        %dma_start3A_436 = arith.constant 0 : i32
        %dma_start3A_437 = tpu.memref_slice %arg7[%add3A_324, %dma_start3A_435, %dma_start3A_436] : memref<64x2048x768xf32, #tpu.memory_space<any>> -> memref<1x512x768xf32, #tpu.memory_space<any>>
        %dma_start3A_438 = tpu.memref_squeeze %dma_start3A_437 : memref<1x512x768xf32, #tpu.memory_space<any>> -> memref<512x768xf32, #tpu.memory_space<any>>
        tpu.enqueue_dma source(%dma_start3A_438 : memref<512x768xf32, #tpu.memory_space<any>>) target(%dma_start3A_434 : memref<512x768xf32, #tpu.memory_space<vmem>>) target_semaphore(%dma_start3A_430 : memref<!tpu.dma_semaphore, #tpu.memory_space<semaphore_mem>>)
        %dma_start3A_439 = tpu.memref_slice %arg15[%rem3A_328] : memref<2x!tpu.dma_semaphore, #tpu.memory_space<semaphore_mem>> -> memref<1x!tpu.dma_semaphore, #tpu.memory_space<semaphore_mem>>
        %dma_start3A_440 = tpu.memref_squeeze %dma_start3A_439 : memref<1x!tpu.dma_semaphore, #tpu.memory_space<semaphore_mem>> -> memref<!tpu.dma_semaphore, #tpu.memory_space<semaphore_mem>>
        %dma_start3A_441 = arith.constant 576 : i32
        %dma_start3A_442 = arith.constant 0 : i32
        %dma_start3A_443 = tpu.memref_slice %arg12[%rem3A_328, %dma_start3A_441, %dma_start3A_442] : memref<2x768x2048xf32, #tpu.memory_space<vmem>> -> memref<1x192x2048xf32, #tpu.memory_space<vmem>>
        %dma_start3A_444 = tpu.memref_squeeze %dma_start3A_443 : memref<1x192x2048xf32, #tpu.memory_space<vmem>> -> memref<192x2048xf32, #tpu.memory_space<vmem>>
        %dma_start3A_445 = arith.constant 576 : i32
        %dma_start3A_446 = arith.constant 0 : i32
        %dma_start3A_447 = tpu.memref_slice %arg8[%add3A_324, %dma_start3A_445, %dma_start3A_446] : memref<64x768x2048xf32, #tpu.memory_space<any>> -> memref<1x192x2048xf32, #tpu.memory_space<any>>
        %dma_start3A_448 = tpu.memref_squeeze %dma_start3A_447 : memref<1x192x2048xf32, #tpu.memory_space<any>> -> memref<192x2048xf32, #tpu.memory_space<any>>
        tpu.enqueue_dma source(%dma_start3A_448 : memref<192x2048xf32, #tpu.memory_space<any>>) target(%dma_start3A_444 : memref<192x2048xf32, #tpu.memory_space<vmem>>) target_semaphore(%dma_start3A_440 : memref<!tpu.dma_semaphore, #tpu.memory_space<semaphore_mem>>)
      } else {
      }
      %dma_wait3A = tpu.memref_slice %arg15[%rem3A_170] : memref<2x!tpu.dma_semaphore, #tpu.memory_space<semaphore_mem>> -> memref<1x!tpu.dma_semaphore, #tpu.memory_space<semaphore_mem>>
      %dma_wait3A_176 = tpu.memref_squeeze %dma_wait3A : memref<1x!tpu.dma_semaphore, #tpu.memory_space<semaphore_mem>> -> memref<!tpu.dma_semaphore, #tpu.memory_space<semaphore_mem>>
      %dma_wait3A_177 = arith.constant 0 : i32
      %dma_wait3A_178 = arith.constant 0 : i32
      %dma_wait3A_179 = tpu.memref_slice %arg10[%rem3A_170, %dma_wait3A_177, %dma_wait3A_178] : memref<2x2048x768xf32, #tpu.memory_space<vmem>> -> memref<1x512x768xf32, #tpu.memory_space<vmem>>
      %dma_wait3A_180 = tpu.memref_squeeze %dma_wait3A_179 : memref<1x512x768xf32, #tpu.memory_space<vmem>> -> memref<512x768xf32, #tpu.memory_space<vmem>>
      %dma_wait3A_181 = arith.constant 0 : i32
      %dma_wait3A_182 = arith.constant 0 : i32
      %dma_wait3A_183 = tpu.memref_slice %arg6[%scan3A_168, %dma_wait3A_181, %dma_wait3A_182] : memref<64x2048x768xf32, #tpu.memory_space<any>> -> memref<1x512x768xf32, #tpu.memory_space<any>>
      %dma_wait3A_184 = tpu.memref_squeeze %dma_wait3A_183 : memref<1x512x768xf32, #tpu.memory_space<any>> -> memref<512x768xf32, #tpu.memory_space<any>>
      tpu.wait_dma2 semaphore(%dma_wait3A_176 : memref<!tpu.dma_semaphore, #tpu.memory_space<semaphore_mem>>) src(%dma_wait3A_184 : memref<512x768xf32, #tpu.memory_space<any>>) dst(%dma_wait3A_180 : memref<512x768xf32, #tpu.memory_space<vmem>>)
      %dma_wait3A_185 = tpu.memref_slice %arg15[%rem3A_170] : memref<2x!tpu.dma_semaphore, #tpu.memory_space<semaphore_mem>> -> memref<1x!tpu.dma_semaphore, #tpu.memory_space<semaphore_mem>>
      %dma_wait3A_186 = tpu.memref_squeeze %dma_wait3A_185 : memref<1x!tpu.dma_semaphore, #tpu.memory_space<semaphore_mem>> -> memref<!tpu.dma_semaphore, #tpu.memory_space<semaphore_mem>>
      %dma_wait3A_187 = arith.constant 0 : i32
      %dma_wait3A_188 = arith.constant 0 : i32
      %dma_wait3A_189 = tpu.memref_slice %arg11[%rem3A_170, %dma_wait3A_187, %dma_wait3A_188] : memref<2x2048x768xf32, #tpu.memory_space<vmem>> -> memref<1x512x768xf32, #tpu.memory_space<vmem>>
      %dma_wait3A_190 = tpu.memref_squeeze %dma_wait3A_189 : memref<1x512x768xf32, #tpu.memory_space<vmem>> -> memref<512x768xf32, #tpu.memory_space<vmem>>
      %dma_wait3A_191 = arith.constant 0 : i32
      %dma_wait3A_192 = arith.constant 0 : i32
      %dma_wait3A_193 = tpu.memref_slice %arg7[%scan3A_168, %dma_wait3A_191, %dma_wait3A_192] : memref<64x2048x768xf32, #tpu.memory_space<any>> -> memref<1x512x768xf32, #tpu.memory_space<any>>
      %dma_wait3A_194 = tpu.memref_squeeze %dma_wait3A_193 : memref<1x512x768xf32, #tpu.memory_space<any>> -> memref<512x768xf32, #tpu.memory_space<any>>
      tpu.wait_dma2 semaphore(%dma_wait3A_186 : memref<!tpu.dma_semaphore, #tpu.memory_space<semaphore_mem>>) src(%dma_wait3A_194 : memref<512x768xf32, #tpu.memory_space<any>>) dst(%dma_wait3A_190 : memref<512x768xf32, #tpu.memory_space<vmem>>)
      %dma_wait3A_195 = tpu.memref_slice %arg15[%rem3A_170] : memref<2x!tpu.dma_semaphore, #tpu.memory_space<semaphore_mem>> -> memref<1x!tpu.dma_semaphore, #tpu.memory_space<semaphore_mem>>
      %dma_wait3A_196 = tpu.memref_squeeze %dma_wait3A_195 : memref<1x!tpu.dma_semaphore, #tpu.memory_space<semaphore_mem>> -> memref<!tpu.dma_semaphore, #tpu.memory_space<semaphore_mem>>
      %dma_wait3A_197 = arith.constant 0 : i32
      %dma_wait3A_198 = arith.constant 0 : i32
      %dma_wait3A_199 = tpu.memref_slice %arg12[%rem3A_170, %dma_wait3A_197, %dma_wait3A_198] : memref<2x768x2048xf32, #tpu.memory_space<vmem>> -> memref<1x192x2048xf32, #tpu.memory_space<vmem>>
      %dma_wait3A_200 = tpu.memref_squeeze %dma_wait3A_199 : memref<1x192x2048xf32, #tpu.memory_space<vmem>> -> memref<192x2048xf32, #tpu.memory_space<vmem>>
      %dma_wait3A_201 = arith.constant 0 : i32
      %dma_wait3A_202 = arith.constant 0 : i32
      %dma_wait3A_203 = tpu.memref_slice %arg8[%scan3A_168, %dma_wait3A_201, %dma_wait3A_202] : memref<64x768x2048xf32, #tpu.memory_space<any>> -> memref<1x192x2048xf32, #tpu.memory_space<any>>
      %dma_wait3A_204 = tpu.memref_squeeze %dma_wait3A_203 : memref<1x192x2048xf32, #tpu.memory_space<any>> -> memref<192x2048xf32, #tpu.memory_space<any>>
      tpu.wait_dma2 semaphore(%dma_wait3A_196 : memref<!tpu.dma_semaphore, #tpu.memory_space<semaphore_mem>>) src(%dma_wait3A_204 : memref<192x2048xf32, #tpu.memory_space<any>>) dst(%dma_wait3A_200 : memref<192x2048xf32, #tpu.memory_space<vmem>>)
      %dma_wait3A_205 = tpu.memref_slice %arg15[%rem3A_170] : memref<2x!tpu.dma_semaphore, #tpu.memory_space<semaphore_mem>> -> memref<1x!tpu.dma_semaphore, #tpu.memory_space<semaphore_mem>>
      %dma_wait3A_206 = tpu.memref_squeeze %dma_wait3A_205 : memref<1x!tpu.dma_semaphore, #tpu.memory_space<semaphore_mem>> -> memref<!tpu.dma_semaphore, #tpu.memory_space<semaphore_mem>>
      %dma_wait3A_207 = arith.constant 512 : i32
      %dma_wait3A_208 = arith.constant 0 : i32
      %dma_wait3A_209 = tpu.memref_slice %arg10[%rem3A_170, %dma_wait3A_207, %dma_wait3A_208] : memref<2x2048x768xf32, #tpu.memory_space<vmem>> -> memref<1x512x768xf32, #tpu.memory_space<vmem>>
      %dma_wait3A_210 = tpu.memref_squeeze %dma_wait3A_209 : memref<1x512x768xf32, #tpu.memory_space<vmem>> -> memref<512x768xf32, #tpu.memory_space<vmem>>
      %dma_wait3A_211 = arith.constant 512 : i32
      %dma_wait3A_212 = arith.constant 0 : i32
      %dma_wait3A_213 = tpu.memref_slice %arg6[%scan3A_168, %dma_wait3A_211, %dma_wait3A_212] : memref<64x2048x768xf32, #tpu.memory_space<any>> -> memref<1x512x768xf32, #tpu.memory_space<any>>
      %dma_wait3A_214 = tpu.memref_squeeze %dma_wait3A_213 : memref<1x512x768xf32, #tpu.memory_space<any>> -> memref<512x768xf32, #tpu.memory_space<any>>
      tpu.wait_dma2 semaphore(%dma_wait3A_206 : memref<!tpu.dma_semaphore, #tpu.memory_space<semaphore_mem>>) src(%dma_wait3A_214 : memref<512x768xf32, #tpu.memory_space<any>>) dst(%dma_wait3A_210 : memref<512x768xf32, #tpu.memory_space<vmem>>)
      %dma_wait3A_215 = tpu.memref_slice %arg15[%rem3A_170] : memref<2x!tpu.dma_semaphore, #tpu.memory_space<semaphore_mem>> -> memref<1x!tpu.dma_semaphore, #tpu.memory_space<semaphore_mem>>
      %dma_wait3A_216 = tpu.memref_squeeze %dma_wait3A_215 : memref<1x!tpu.dma_semaphore, #tpu.memory_space<semaphore_mem>> -> memref<!tpu.dma_semaphore, #tpu.memory_space<semaphore_mem>>
      %dma_wait3A_217 = arith.constant 512 : i32
      %dma_wait3A_218 = arith.constant 0 : i32
      %dma_wait3A_219 = tpu.memref_slice %arg11[%rem3A_170, %dma_wait3A_217, %dma_wait3A_218] : memref<2x2048x768xf32, #tpu.memory_space<vmem>> -> memref<1x512x768xf32, #tpu.memory_space<vmem>>
      %dma_wait3A_220 = tpu.memref_squeeze %dma_wait3A_219 : memref<1x512x768xf32, #tpu.memory_space<vmem>> -> memref<512x768xf32, #tpu.memory_space<vmem>>
      %dma_wait3A_221 = arith.constant 512 : i32
      %dma_wait3A_222 = arith.constant 0 : i32
      %dma_wait3A_223 = tpu.memref_slice %arg7[%scan3A_168, %dma_wait3A_221, %dma_wait3A_222] : memref<64x2048x768xf32, #tpu.memory_space<any>> -> memref<1x512x768xf32, #tpu.memory_space<any>>
      %dma_wait3A_224 = tpu.memref_squeeze %dma_wait3A_223 : memref<1x512x768xf32, #tpu.memory_space<any>> -> memref<512x768xf32, #tpu.memory_space<any>>
      tpu.wait_dma2 semaphore(%dma_wait3A_216 : memref<!tpu.dma_semaphore, #tpu.memory_space<semaphore_mem>>) src(%dma_wait3A_224 : memref<512x768xf32, #tpu.memory_space<any>>) dst(%dma_wait3A_220 : memref<512x768xf32, #tpu.memory_space<vmem>>)
      %dma_wait3A_225 = tpu.memref_slice %arg15[%rem3A_170] : memref<2x!tpu.dma_semaphore, #tpu.memory_space<semaphore_mem>> -> memref<1x!tpu.dma_semaphore, #tpu.memory_space<semaphore_mem>>
      %dma_wait3A_226 = tpu.memref_squeeze %dma_wait3A_225 : memref<1x!tpu.dma_semaphore, #tpu.memory_space<semaphore_mem>> -> memref<!tpu.dma_semaphore, #tpu.memory_space<semaphore_mem>>
      %dma_wait3A_227 = arith.constant 192 : i32
      %dma_wait3A_228 = arith.constant 0 : i32
      %dma_wait3A_229 = tpu.memref_slice %arg12[%rem3A_170, %dma_wait3A_227, %dma_wait3A_228] : memref<2x768x2048xf32, #tpu.memory_space<vmem>> -> memref<1x192x2048xf32, #tpu.memory_space<vmem>>
      %dma_wait3A_230 = tpu.memref_squeeze %dma_wait3A_229 : memref<1x192x2048xf32, #tpu.memory_space<vmem>> -> memref<192x2048xf32, #tpu.memory_space<vmem>>
      %dma_wait3A_231 = arith.constant 192 : i32
      %dma_wait3A_232 = arith.constant 0 : i32
      %dma_wait3A_233 = tpu.memref_slice %arg8[%scan3A_168, %dma_wait3A_231, %dma_wait3A_232] : memref<64x768x2048xf32, #tpu.memory_space<any>> -> memref<1x192x2048xf32, #tpu.memory_space<any>>
      %dma_wait3A_234 = tpu.memref_squeeze %dma_wait3A_233 : memref<1x192x2048xf32, #tpu.memory_space<any>> -> memref<192x2048xf32, #tpu.memory_space<any>>
      tpu.wait_dma2 semaphore(%dma_wait3A_226 : memref<!tpu.dma_semaphore, #tpu.memory_space<semaphore_mem>>) src(%dma_wait3A_234 : memref<192x2048xf32, #tpu.memory_space<any>>) dst(%dma_wait3A_230 : memref<192x2048xf32, #tpu.memory_space<vmem>>)
      %dma_wait3A_235 = tpu.memref_slice %arg15[%rem3A_170] : memref<2x!tpu.dma_semaphore, #tpu.memory_space<semaphore_mem>> -> memref<1x!tpu.dma_semaphore, #tpu.memory_space<semaphore_mem>>
      %dma_wait3A_236 = tpu.memref_squeeze %dma_wait3A_235 : memref<1x!tpu.dma_semaphore, #tpu.memory_space<semaphore_mem>> -> memref<!tpu.dma_semaphore, #tpu.memory_space<semaphore_mem>>
      %dma_wait3A_237 = arith.constant 1024 : i32
      %dma_wait3A_238 = arith.constant 0 : i32
      %dma_wait3A_239 = tpu.memref_slice %arg10[%rem3A_170, %dma_wait3A_237, %dma_wait3A_238] : memref<2x2048x768xf32, #tpu.memory_space<vmem>> -> memref<1x512x768xf32, #tpu.memory_space<vmem>>
      %dma_wait3A_240 = tpu.memref_squeeze %dma_wait3A_239 : memref<1x512x768xf32, #tpu.memory_space<vmem>> -> memref<512x768xf32, #tpu.memory_space<vmem>>
      %dma_wait3A_241 = arith.constant 1024 : i32
      %dma_wait3A_242 = arith.constant 0 : i32
      %dma_wait3A_243 = tpu.memref_slice %arg6[%scan3A_168, %dma_wait3A_241, %dma_wait3A_242] : memref<64x2048x768xf32, #tpu.memory_space<any>> -> memref<1x512x768xf32, #tpu.memory_space<any>>
      %dma_wait3A_244 = tpu.memref_squeeze %dma_wait3A_243 : memref<1x512x768xf32, #tpu.memory_space<any>> -> memref<512x768xf32, #tpu.memory_space<any>>
      tpu.wait_dma2 semaphore(%dma_wait3A_236 : memref<!tpu.dma_semaphore, #tpu.memory_space<semaphore_mem>>) src(%dma_wait3A_244 : memref<512x768xf32, #tpu.memory_space<any>>) dst(%dma_wait3A_240 : memref<512x768xf32, #tpu.memory_space<vmem>>)
      %dma_wait3A_245 = tpu.memref_slice %arg15[%rem3A_170] : memref<2x!tpu.dma_semaphore, #tpu.memory_space<semaphore_mem>> -> memref<1x!tpu.dma_semaphore, #tpu.memory_space<semaphore_mem>>
      %dma_wait3A_246 = tpu.memref_squeeze %dma_wait3A_245 : memref<1x!tpu.dma_semaphore, #tpu.memory_space<semaphore_mem>> -> memref<!tpu.dma_semaphore, #tpu.memory_space<semaphore_mem>>
      %dma_wait3A_247 = arith.constant 1024 : i32
      %dma_wait3A_248 = arith.constant 0 : i32
      %dma_wait3A_249 = tpu.memref_slice %arg11[%rem3A_170, %dma_wait3A_247, %dma_wait3A_248] : memref<2x2048x768xf32, #tpu.memory_space<vmem>> -> memref<1x512x768xf32, #tpu.memory_space<vmem>>
      %dma_wait3A_250 = tpu.memref_squeeze %dma_wait3A_249 : memref<1x512x768xf32, #tpu.memory_space<vmem>> -> memref<512x768xf32, #tpu.memory_space<vmem>>
      %dma_wait3A_251 = arith.constant 1024 : i32
      %dma_wait3A_252 = arith.constant 0 : i32
      %dma_wait3A_253 = tpu.memref_slice %arg7[%scan3A_168, %dma_wait3A_251, %dma_wait3A_252] : memref<64x2048x768xf32, #tpu.memory_space<any>> -> memref<1x512x768xf32, #tpu.memory_space<any>>
      %dma_wait3A_254 = tpu.memref_squeeze %dma_wait3A_253 : memref<1x512x768xf32, #tpu.memory_space<any>> -> memref<512x768xf32, #tpu.memory_space<any>>
      tpu.wait_dma2 semaphore(%dma_wait3A_246 : memref<!tpu.dma_semaphore, #tpu.memory_space<semaphore_mem>>) src(%dma_wait3A_254 : memref<512x768xf32, #tpu.memory_space<any>>) dst(%dma_wait3A_250 : memref<512x768xf32, #tpu.memory_space<vmem>>)
      %dma_wait3A_255 = tpu.memref_slice %arg15[%rem3A_170] : memref<2x!tpu.dma_semaphore, #tpu.memory_space<semaphore_mem>> -> memref<1x!tpu.dma_semaphore, #tpu.memory_space<semaphore_mem>>
      %dma_wait3A_256 = tpu.memref_squeeze %dma_wait3A_255 : memref<1x!tpu.dma_semaphore, #tpu.memory_space<semaphore_mem>> -> memref<!tpu.dma_semaphore, #tpu.memory_space<semaphore_mem>>
      %dma_wait3A_257 = arith.constant 384 : i32
      %dma_wait3A_258 = arith.constant 0 : i32
      %dma_wait3A_259 = tpu.memref_slice %arg12[%rem3A_170, %dma_wait3A_257, %dma_wait3A_258] : memref<2x768x2048xf32, #tpu.memory_space<vmem>> -> memref<1x192x2048xf32, #tpu.memory_space<vmem>>
      %dma_wait3A_260 = tpu.memref_squeeze %dma_wait3A_259 : memref<1x192x2048xf32, #tpu.memory_space<vmem>> -> memref<192x2048xf32, #tpu.memory_space<vmem>>
      %dma_wait3A_261 = arith.constant 384 : i32
      %dma_wait3A_262 = arith.constant 0 : i32
      %dma_wait3A_263 = tpu.memref_slice %arg8[%scan3A_168, %dma_wait3A_261, %dma_wait3A_262] : memref<64x768x2048xf32, #tpu.memory_space<any>> -> memref<1x192x2048xf32, #tpu.memory_space<any>>
      %dma_wait3A_264 = tpu.memref_squeeze %dma_wait3A_263 : memref<1x192x2048xf32, #tpu.memory_space<any>> -> memref<192x2048xf32, #tpu.memory_space<any>>
      tpu.wait_dma2 semaphore(%dma_wait3A_256 : memref<!tpu.dma_semaphore, #tpu.memory_space<semaphore_mem>>) src(%dma_wait3A_264 : memref<192x2048xf32, #tpu.memory_space<any>>) dst(%dma_wait3A_260 : memref<192x2048xf32, #tpu.memory_space<vmem>>)
      %dma_wait3A_265 = tpu.memref_slice %arg15[%rem3A_170] : memref<2x!tpu.dma_semaphore, #tpu.memory_space<semaphore_mem>> -> memref<1x!tpu.dma_semaphore, #tpu.memory_space<semaphore_mem>>
      %dma_wait3A_266 = tpu.memref_squeeze %dma_wait3A_265 : memref<1x!tpu.dma_semaphore, #tpu.memory_space<semaphore_mem>> -> memref<!tpu.dma_semaphore, #tpu.memory_space<semaphore_mem>>
      %dma_wait3A_267 = arith.constant 1536 : i32
      %dma_wait3A_268 = arith.constant 0 : i32
      %dma_wait3A_269 = tpu.memref_slice %arg10[%rem3A_170, %dma_wait3A_267, %dma_wait3A_268] : memref<2x2048x768xf32, #tpu.memory_space<vmem>> -> memref<1x512x768xf32, #tpu.memory_space<vmem>>
      %dma_wait3A_270 = tpu.memref_squeeze %dma_wait3A_269 : memref<1x512x768xf32, #tpu.memory_space<vmem>> -> memref<512x768xf32, #tpu.memory_space<vmem>>
      %dma_wait3A_271 = arith.constant 1536 : i32
      %dma_wait3A_272 = arith.constant 0 : i32
      %dma_wait3A_273 = tpu.memref_slice %arg6[%scan3A_168, %dma_wait3A_271, %dma_wait3A_272] : memref<64x2048x768xf32, #tpu.memory_space<any>> -> memref<1x512x768xf32, #tpu.memory_space<any>>
      %dma_wait3A_274 = tpu.memref_squeeze %dma_wait3A_273 : memref<1x512x768xf32, #tpu.memory_space<any>> -> memref<512x768xf32, #tpu.memory_space<any>>
      tpu.wait_dma2 semaphore(%dma_wait3A_266 : memref<!tpu.dma_semaphore, #tpu.memory_space<semaphore_mem>>) src(%dma_wait3A_274 : memref<512x768xf32, #tpu.memory_space<any>>) dst(%dma_wait3A_270 : memref<512x768xf32, #tpu.memory_space<vmem>>)
      %dma_wait3A_275 = tpu.memref_slice %arg15[%rem3A_170] : memref<2x!tpu.dma_semaphore, #tpu.memory_space<semaphore_mem>> -> memref<1x!tpu.dma_semaphore, #tpu.memory_space<semaphore_mem>>
      %dma_wait3A_276 = tpu.memref_squeeze %dma_wait3A_275 : memref<1x!tpu.dma_semaphore, #tpu.memory_space<semaphore_mem>> -> memref<!tpu.dma_semaphore, #tpu.memory_space<semaphore_mem>>
      %dma_wait3A_277 = arith.constant 1536 : i32
      %dma_wait3A_278 = arith.constant 0 : i32
      %dma_wait3A_279 = tpu.memref_slice %arg11[%rem3A_170, %dma_wait3A_277, %dma_wait3A_278] : memref<2x2048x768xf32, #tpu.memory_space<vmem>> -> memref<1x512x768xf32, #tpu.memory_space<vmem>>
      %dma_wait3A_280 = tpu.memref_squeeze %dma_wait3A_279 : memref<1x512x768xf32, #tpu.memory_space<vmem>> -> memref<512x768xf32, #tpu.memory_space<vmem>>
      %dma_wait3A_281 = arith.constant 1536 : i32
      %dma_wait3A_282 = arith.constant 0 : i32
      %dma_wait3A_283 = tpu.memref_slice %arg7[%scan3A_168, %dma_wait3A_281, %dma_wait3A_282] : memref<64x2048x768xf32, #tpu.memory_space<any>> -> memref<1x512x768xf32, #tpu.memory_space<any>>
      %dma_wait3A_284 = tpu.memref_squeeze %dma_wait3A_283 : memref<1x512x768xf32, #tpu.memory_space<any>> -> memref<512x768xf32, #tpu.memory_space<any>>
      tpu.wait_dma2 semaphore(%dma_wait3A_276 : memref<!tpu.dma_semaphore, #tpu.memory_space<semaphore_mem>>) src(%dma_wait3A_284 : memref<512x768xf32, #tpu.memory_space<any>>) dst(%dma_wait3A_280 : memref<512x768xf32, #tpu.memory_space<vmem>>)
      %dma_wait3A_285 = tpu.memref_slice %arg15[%rem3A_170] : memref<2x!tpu.dma_semaphore, #tpu.memory_space<semaphore_mem>> -> memref<1x!tpu.dma_semaphore, #tpu.memory_space<semaphore_mem>>
      %dma_wait3A_286 = tpu.memref_squeeze %dma_wait3A_285 : memref<1x!tpu.dma_semaphore, #tpu.memory_space<semaphore_mem>> -> memref<!tpu.dma_semaphore, #tpu.memory_space<semaphore_mem>>
      %dma_wait3A_287 = arith.constant 576 : i32
      %dma_wait3A_288 = arith.constant 0 : i32
      %dma_wait3A_289 = tpu.memref_slice %arg12[%rem3A_170, %dma_wait3A_287, %dma_wait3A_288] : memref<2x768x2048xf32, #tpu.memory_space<vmem>> -> memref<1x192x2048xf32, #tpu.memory_space<vmem>>
      %dma_wait3A_290 = tpu.memref_squeeze %dma_wait3A_289 : memref<1x192x2048xf32, #tpu.memory_space<vmem>> -> memref<192x2048xf32, #tpu.memory_space<vmem>>
      %dma_wait3A_291 = arith.constant 576 : i32
      %dma_wait3A_292 = arith.constant 0 : i32
      %dma_wait3A_293 = tpu.memref_slice %arg8[%scan3A_168, %dma_wait3A_291, %dma_wait3A_292] : memref<64x768x2048xf32, #tpu.memory_space<any>> -> memref<1x192x2048xf32, #tpu.memory_space<any>>
      %dma_wait3A_294 = tpu.memref_squeeze %dma_wait3A_293 : memref<1x192x2048xf32, #tpu.memory_space<any>> -> memref<192x2048xf32, #tpu.memory_space<any>>
      tpu.wait_dma2 semaphore(%dma_wait3A_286 : memref<!tpu.dma_semaphore, #tpu.memory_space<semaphore_mem>>) src(%dma_wait3A_294 : memref<192x2048xf32, #tpu.memory_space<any>>) dst(%dma_wait3A_290 : memref<192x2048xf32, #tpu.memory_space<vmem>>)
      %get3A = arith.index_cast %rem3A_170 : i32 to index
      %get3A_295 = arith.constant 0 : index
      %get3A_296 = arith.constant 0 : index
      %get3A_297 = vector.load %arg10[%get3A, %get3A_295, %get3A_296] : memref<2x2048x768xf32, #tpu.memory_space<vmem>>, vector<1x2048x768xf32>
      %get3A_298 = vector.shape_cast %get3A_297 : vector<1x2048x768xf32> to vector<2048x768xf32>
      %get3A_299 = arith.index_cast %rem3A_170 : i32 to index
      %get3A_300 = arith.constant 0 : index
      %get3A_301 = arith.constant 0 : index
      %get3A_302 = vector.load %arg11[%get3A_299, %get3A_300, %get3A_301] : memref<2x2048x768xf32, #tpu.memory_space<vmem>>, vector<1x2048x768xf32>
      %get3A_303 = vector.shape_cast %get3A_302 : vector<1x2048x768xf32> to vector<2048x768xf32>
      %get3A_304 = arith.index_cast %rem3A_170 : i32 to index
      %get3A_305 = arith.constant 0 : index
      %get3A_306 = arith.constant 0 : index
      %get3A_307 = vector.load %arg12[%get3A_304, %get3A_305, %get3A_306] : memref<2x768x2048xf32, #tpu.memory_space<vmem>>, vector<1x768x2048xf32>
      %get3A_308 = vector.shape_cast %get3A_307 : vector<1x768x2048xf32> to vector<768x2048xf32>
      %get3A_309 = arith.index_cast %scan3A_168 : i32 to index
      %get3A_310 = memref.load %arg2[%get3A_309] : memref<64xi32, #tpu.memory_space<smem>>
      %get3A_311 = arith.index_cast %scan3A_168 : i32 to index
      %get3A_312 = memref.load %arg1[%get3A_311] : memref<64xi32, #tpu.memory_space<smem>>
      %while3A = arith.constant 0 : i32
      %while3A_313 = arith.subi %get3A_312, %while3A : i32
      %while3A_314 = arith.addi %while3A, %while3A_313 : i32
      %while3A_315 = arith.constant 1 : i32
      %while3A_316 = arith.divsi %while3A_313, %while3A_315 : i32
      %while3A_317 = arith.muli %while3A_316, %while3A_315 : i32
      %while3A_318 = arith.addi %while3A, %while3A_317 : i32
      %while3A_319 = arith.constant 1 : i32
      %while3A_320 = scf.for %while3A_323 = %while3A to %while3A_318 step %while3A_319 iter_args(%while3A_324 = %scan3A_169) -> (i32)  : i32 {
        %add3A_325 = arith.addi %get3A_310, %while3A_323 : i32
        %rem3A_326 = arith.constant 2 : i32
        %rem3A_327 = arith.remsi %while3A_324, %rem3A_326 : i32
        %get3A_328 = arith.index_cast %add3A_325 : i32 to index
        %get3A_329 = arith.constant 0 : index
        %get3A_330 = vector.load %arg4[%get3A_328, %get3A_329] : memref<96x64xf32, #tpu.memory_space<vmem>>, vector<1x64xf32>
        %squeeze3A = vector.shape_cast %get3A_330 : vector<1x64xf32> to vector<64xf32>
        %scan3A_331 = arith.constant 0 : i32
        %scan3A_332 = arith.constant 0 : i32
        %scan3A_333 = arith.constant 64 : i32
        %scan3A_334 = arith.addi %scan3A_332, %scan3A_333 : i32
        %scan3A_335 = arith.constant 1 : i32
        scf.for %scan3A_376 = %scan3A_332 to %scan3A_334 step %scan3A_335  : i32 {
          %mul3A_377 = arith.constant 64 : i32
          %mul3A_378 = arith.muli %add3A_325, %mul3A_377 : i32
          %add3A_379 = arith.addi %mul3A_378, %scan3A_376 : i32
          %get3A_380 = arith.index_cast %add3A_379 : i32 to index
          %get3A_381 = memref.load %arg3[%get3A_380] : memref<6144xi32, #tpu.memory_space<smem>>
          %get3A_382 = arith.index_cast %get3A_381 : i32 to index
          %get3A_383 = arith.constant 0 : index
          %get3A_384 = vector.load %arg5[%get3A_382, %get3A_383] : memref<2048x768xf32, #tpu.memory_space<vmem>>, vector<1x768xf32>
          %swap3A_385 = arith.index_cast %scan3A_376 : i32 to index
          %swap3A_386 = arith.constant 0 : index
          %swap3A_387 = vector.load %arg13[%swap3A_385, %swap3A_386] : memref<64x768xf32, #tpu.memory_space<vmem>>, vector<1x768xf32>
          tpu.vector_store %arg13[%swap3A_385, %swap3A_386], %get3A_384 {strides = array<i32>} : memref<64x768xf32, #tpu.memory_space<vmem>>, vector<1x768xf32>,
        }
        %scan3A_336 = arith.constant 64 : i32
        %get3A_337 = arith.constant 0 : index
        %get3A_338 = arith.constant 0 : index
        %get3A_339 = vector.load %arg13[%get3A_337, %get3A_338] : memref<64x768xf32, #tpu.memory_space<vmem>>, vector<64x768xf32>
        %dot_general3A = arith.constant dense<0.000000e+00> : vector<64x2048xf32>
        %dot_general3A_340 = tpu.matmul %get3A_339, %get3A_298, %dot_general3A {dimension_numbers = #tpu.dot_dimension_numbers<[1], [1], [0], [0], [0, 0, 1, 0], [], []>, transpose_lhs_hint = false} : vector<64x768xf32>, vector<2048x768xf32>, vector<64x2048xf32> -> vector<64x2048xf32>
        %dot_general3A_341 = arith.constant dense<0.000000e+00> : vector<64x2048xf32>
        %dot_general3A_342 = tpu.matmul %get3A_339, %get3A_303, %dot_general3A_341 {dimension_numbers = #tpu.dot_dimension_numbers<[1], [1], [0], [0], [0, 0, 1, 0], [], []>, transpose_lhs_hint = false} : vector<64x768xf32>, vector<2048x768xf32>, vector<64x2048xf32> -> vector<64x2048xf32>
        %logistic3A = arith.negf %dot_general3A_340 : vector<64x2048xf32>
        %logistic3A_343 = math.exp %logistic3A : vector<64x2048xf32>
        %logistic3A_344 = arith.constant 1.000000e+00 : f32
        %logistic3A_345 = vector.broadcast %logistic3A_344 : f32 to vector<64x2048xf32>
        %logistic3A_346 = arith.addf %logistic3A_345, %logistic3A_343 : vector<64x2048xf32>
        %logistic3A_347 = arith.divf %logistic3A_345, %logistic3A_346 : vector<64x2048xf32>
        %mul3A = arith.mulf %dot_general3A_340, %logistic3A_347 : vector<64x2048xf32>
        %mul3A_348 = arith.mulf %mul3A, %dot_general3A_342 : vector<64x2048xf32>
        %dot_general3A_349 = arith.constant dense<0.000000e+00> : vector<64x768xf32>
        %dot_general3A_350 = tpu.matmul %mul3A_348, %get3A_308, %dot_general3A_349 {dimension_numbers = #tpu.dot_dimension_numbers<[1], [1], [0], [0], [0, 0, 1, 0], [], []>, transpose_lhs_hint = false} : vector<64x2048xf32>, vector<768x2048xf32>, vector<64x768xf32> -> vector<64x768xf32>
        %ge3A_351 = arith.constant 2 : i32
        %ge3A_352 = arith.cmpi sge, %while3A_324, %ge3A_351 : i32
        %convert_element_type3A_353 = arith.extui %ge3A_352 : i1 to i32
        %cond3A_354 = arith.constant 0 : i32
        %cond3A_355 = arith.cmpi ne, %convert_element_type3A_353, %cond3A_354 : i32
        scf.if %cond3A_355 {
          %get3A_376 = arith.index_cast %rem3A_327 : i32 to index
          %get3A_377 = memref.load %arg17[%get3A_376] : memref<2xi32, #tpu.memory_space<smem>>
          %mul3A_378 = arith.constant 64 : i32
          %mul3A_379 = arith.muli %get3A_377, %mul3A_378 : i32
          %dma_wait3A_380 = tpu.memref_slice %arg16[%rem3A_327] : memref<2x!tpu.dma_semaphore, #tpu.memory_space<semaphore_mem>> -> memref<1x!tpu.dma_semaphore, #tpu.memory_space<semaphore_mem>>
          %dma_wait3A_381 = tpu.memref_squeeze %dma_wait3A_380 : memref<1x!tpu.dma_semaphore, #tpu.memory_space<semaphore_mem>> -> memref<!tpu.dma_semaphore, #tpu.memory_space<semaphore_mem>>
          %dma_wait3A_382 = arith.constant 0 : i32
          %dma_wait3A_383 = tpu.memref_slice %arg9[%mul3A_379, %dma_wait3A_382] : memref<6144x768xf32, #tpu.memory_space<any>> -> memref<64x768xf32, #tpu.memory_space<any>>
          %dma_wait3A_384 = arith.constant 0 : i32
          %dma_wait3A_385 = arith.constant 0 : i32
          %dma_wait3A_386 = tpu.memref_slice %arg14[%rem3A_327, %dma_wait3A_384, %dma_wait3A_385] : memref<2x64x768xf32, #tpu.memory_space<vmem>> -> memref<1x64x768xf32, #tpu.memory_space<vmem>>
          %dma_wait3A_387 = tpu.memref_squeeze %dma_wait3A_386 : memref<1x64x768xf32, #tpu.memory_space<vmem>> -> memref<64x768xf32, #tpu.memory_space<vmem>>
          tpu.wait_dma2 semaphore(%dma_wait3A_381 : memref<!tpu.dma_semaphore, #tpu.memory_space<semaphore_mem>>) src(%dma_wait3A_387 : memref<64x768xf32, #tpu.memory_space<vmem>>) dst(%dma_wait3A_383 : memref<64x768xf32, #tpu.memory_space<any>>)
        } else {
        }
        %broadcast_in_dim3A = vector.shape_cast %squeeze3A : vector<64xf32> to vector<64x1xf32>
        %mul3A_356 = vector.broadcast %broadcast_in_dim3A : vector<64x1xf32> to vector<64x768xf32>
        %mul3A_357 = arith.mulf %dot_general3A_350, %mul3A_356 : vector<64x768xf32>
        %broadcast_in_dim3A_358 = vector.shape_cast %mul3A_357 : vector<64x768xf32> to vector<1x64x768xf32>
        %swap3A = arith.index_cast %rem3A_327 : i32 to index
        %swap3A_359 = arith.constant 0 : index
        %swap3A_360 = arith.constant 0 : index
        %swap3A_361 = vector.load %arg14[%swap3A, %swap3A_359, %swap3A_360] : memref<2x64x768xf32, #tpu.memory_space<vmem>>, vector<1x64x768xf32>
        tpu.vector_store %arg14[%swap3A, %swap3A_359, %swap3A_360], %broadcast_in_dim3A_358 {strides = array<i32>} : memref<2x64x768xf32, #tpu.memory_space<vmem>>, vector<1x64x768xf32>,
        %mul3A_362 = arith.constant 64 : i32
        %mul3A_363 = arith.muli %add3A_325, %mul3A_362 : i32
        %dma_start3A_364 = tpu.memref_slice %arg16[%rem3A_327] : memref<2x!tpu.dma_semaphore, #tpu.memory_space<semaphore_mem>> -> memref<1x!tpu.dma_semaphore, #tpu.memory_space<semaphore_mem>>
        %dma_start3A_365 = tpu.memref_squeeze %dma_start3A_364 : memref<1x!tpu.dma_semaphore, #tpu.memory_space<semaphore_mem>> -> memref<!tpu.dma_semaphore, #tpu.memory_space<semaphore_mem>>
        %dma_start3A_366 = arith.constant 0 : i32
        %dma_start3A_367 = tpu.memref_slice %arg9[%mul3A_363, %dma_start3A_366] : memref<6144x768xf32, #tpu.memory_space<any>> -> memref<64x768xf32, #tpu.memory_space<any>>
        %dma_start3A_368 = arith.constant 0 : i32
        %dma_start3A_369 = arith.constant 0 : i32
        %dma_start3A_370 = tpu.memref_slice %arg14[%rem3A_327, %dma_start3A_368, %dma_start3A_369] : memref<2x64x768xf32, #tpu.memory_space<vmem>> -> memref<1x64x768xf32, #tpu.memory_space<vmem>>
        %dma_start3A_371 = tpu.memref_squeeze %dma_start3A_370 : memref<1x64x768xf32, #tpu.memory_space<vmem>> -> memref<64x768xf32, #tpu.memory_space<vmem>>
        tpu.enqueue_dma source(%dma_start3A_371 : memref<64x768xf32, #tpu.memory_space<vmem>>) target(%dma_start3A_367 : memref<64x768xf32, #tpu.memory_space<any>>) target_semaphore(%dma_start3A_365 : memref<!tpu.dma_semaphore, #tpu.memory_space<semaphore_mem>>)
        %swap3A_372 = arith.index_cast %rem3A_327 : i32 to index
        %swap3A_373 = memref.load %arg17[%swap3A_372] : memref<2xi32, #tpu.memory_space<smem>>
        memref.store %add3A_325, %arg17[%swap3A_372] : memref<2xi32, #tpu.memory_space<smem>>
        %add3A_374 = arith.constant 1 : i32
        %add3A_375 = arith.addi %while3A_324, %add3A_374 : i32
        scf.yield %add3A_375 : i32
      }
      %while3A_321 = arith.constant 1 : i32
      %while3A_322 = scf.for %while3A_323 = %while3A_318 to %while3A_314 step %while3A_321 iter_args(%while3A_324 = %while3A_320) -> (i32)  : i32 {
        %add3A_325 = arith.addi %get3A_310, %while3A_323 : i32
        %rem3A_326 = arith.constant 2 : i32
        %rem3A_327 = arith.remsi %while3A_324, %rem3A_326 : i32
        %get3A_328 = arith.index_cast %add3A_325 : i32 to index
        %get3A_329 = arith.constant 0 : index
        %get3A_330 = vector.load %arg4[%get3A_328, %get3A_329] : memref<96x64xf32, #tpu.memory_space<vmem>>, vector<1x64xf32>
        %squeeze3A = vector.shape_cast %get3A_330 : vector<1x64xf32> to vector<64xf32>
        %scan3A_331 = arith.constant 0 : i32
        %scan3A_332 = arith.constant 0 : i32
        %scan3A_333 = arith.constant 64 : i32
        %scan3A_334 = arith.addi %scan3A_332, %scan3A_333 : i32
        %scan3A_335 = arith.constant 1 : i32
        scf.for %scan3A_376 = %scan3A_332 to %scan3A_334 step %scan3A_335  : i32 {
          %mul3A_377 = arith.constant 64 : i32
          %mul3A_378 = arith.muli %add3A_325, %mul3A_377 : i32
          %add3A_379 = arith.addi %mul3A_378, %scan3A_376 : i32
          %get3A_380 = arith.index_cast %add3A_379 : i32 to index
          %get3A_381 = memref.load %arg3[%get3A_380] : memref<6144xi32, #tpu.memory_space<smem>>
          %get3A_382 = arith.index_cast %get3A_381 : i32 to index
          %get3A_383 = arith.constant 0 : index
          %get3A_384 = vector.load %arg5[%get3A_382, %get3A_383] : memref<2048x768xf32, #tpu.memory_space<vmem>>, vector<1x768xf32>
          %swap3A_385 = arith.index_cast %scan3A_376 : i32 to index
          %swap3A_386 = arith.constant 0 : index
          %swap3A_387 = vector.load %arg13[%swap3A_385, %swap3A_386] : memref<64x768xf32, #tpu.memory_space<vmem>>, vector<1x768xf32>
          tpu.vector_store %arg13[%swap3A_385, %swap3A_386], %get3A_384 {strides = array<i32>} : memref<64x768xf32, #tpu.memory_space<vmem>>, vector<1x768xf32>,
        }
        %scan3A_336 = arith.constant 64 : i32
        %get3A_337 = arith.constant 0 : index
        %get3A_338 = arith.constant 0 : index
        %get3A_339 = vector.load %arg13[%get3A_337, %get3A_338] : memref<64x768xf32, #tpu.memory_space<vmem>>, vector<64x768xf32>
        %dot_general3A = arith.constant dense<0.000000e+00> : vector<64x2048xf32>
        %dot_general3A_340 = tpu.matmul %get3A_339, %get3A_298, %dot_general3A {dimension_numbers = #tpu.dot_dimension_numbers<[1], [1], [0], [0], [0, 0, 1, 0], [], []>, transpose_lhs_hint = false} : vector<64x768xf32>, vector<2048x768xf32>, vector<64x2048xf32> -> vector<64x2048xf32>
        %dot_general3A_341 = arith.constant dense<0.000000e+00> : vector<64x2048xf32>
        %dot_general3A_342 = tpu.matmul %get3A_339, %get3A_303, %dot_general3A_341 {dimension_numbers = #tpu.dot_dimension_numbers<[1], [1], [0], [0], [0, 0, 1, 0], [], []>, transpose_lhs_hint = false} : vector<64x768xf32>, vector<2048x768xf32>, vector<64x2048xf32> -> vector<64x2048xf32>
        %logistic3A = arith.negf %dot_general3A_340 : vector<64x2048xf32>
        %logistic3A_343 = math.exp %logistic3A : vector<64x2048xf32>
        %logistic3A_344 = arith.constant 1.000000e+00 : f32
        %logistic3A_345 = vector.broadcast %logistic3A_344 : f32 to vector<64x2048xf32>
        %logistic3A_346 = arith.addf %logistic3A_345, %logistic3A_343 : vector<64x2048xf32>
        %logistic3A_347 = arith.divf %logistic3A_345, %logistic3A_346 : vector<64x2048xf32>
        %mul3A = arith.mulf %dot_general3A_340, %logistic3A_347 : vector<64x2048xf32>
        %mul3A_348 = arith.mulf %mul3A, %dot_general3A_342 : vector<64x2048xf32>
        %dot_general3A_349 = arith.constant dense<0.000000e+00> : vector<64x768xf32>
        %dot_general3A_350 = tpu.matmul %mul3A_348, %get3A_308, %dot_general3A_349 {dimension_numbers = #tpu.dot_dimension_numbers<[1], [1], [0], [0], [0, 0, 1, 0], [], []>, transpose_lhs_hint = false} : vector<64x2048xf32>, vector<768x2048xf32>, vector<64x768xf32> -> vector<64x768xf32>
        %ge3A_351 = arith.constant 2 : i32
        %ge3A_352 = arith.cmpi sge, %while3A_324, %ge3A_351 : i32
        %convert_element_type3A_353 = arith.extui %ge3A_352 : i1 to i32
        %cond3A_354 = arith.constant 0 : i32
        %cond3A_355 = arith.cmpi ne, %convert_element_type3A_353, %cond3A_354 : i32
        scf.if %cond3A_355 {
          %get3A_376 = arith.index_cast %rem3A_327 : i32 to index
          %get3A_377 = memref.load %arg17[%get3A_376] : memref<2xi32, #tpu.memory_space<smem>>
          %mul3A_378 = arith.constant 64 : i32
          %mul3A_379 = arith.muli %get3A_377, %mul3A_378 : i32
          %dma_wait3A_380 = tpu.memref_slice %arg16[%rem3A_327] : memref<2x!tpu.dma_semaphore, #tpu.memory_space<semaphore_mem>> -> memref<1x!tpu.dma_semaphore, #tpu.memory_space<semaphore_mem>>
          %dma_wait3A_381 = tpu.memref_squeeze %dma_wait3A_380 : memref<1x!tpu.dma_semaphore, #tpu.memory_space<semaphore_mem>> -> memref<!tpu.dma_semaphore, #tpu.memory_space<semaphore_mem>>
          %dma_wait3A_382 = arith.constant 0 : i32
          %dma_wait3A_383 = tpu.memref_slice %arg9[%mul3A_379, %dma_wait3A_382] : memref<6144x768xf32, #tpu.memory_space<any>> -> memref<64x768xf32, #tpu.memory_space<any>>
          %dma_wait3A_384 = arith.constant 0 : i32
          %dma_wait3A_385 = arith.constant 0 : i32
          %dma_wait3A_386 = tpu.memref_slice %arg14[%rem3A_327, %dma_wait3A_384, %dma_wait3A_385] : memref<2x64x768xf32, #tpu.memory_space<vmem>> -> memref<1x64x768xf32, #tpu.memory_space<vmem>>
          %dma_wait3A_387 = tpu.memref_squeeze %dma_wait3A_386 : memref<1x64x768xf32, #tpu.memory_space<vmem>> -> memref<64x768xf32, #tpu.memory_space<vmem>>
          tpu.wait_dma2 semaphore(%dma_wait3A_381 : memref<!tpu.dma_semaphore, #tpu.memory_space<semaphore_mem>>) src(%dma_wait3A_387 : memref<64x768xf32, #tpu.memory_space<vmem>>) dst(%dma_wait3A_383 : memref<64x768xf32, #tpu.memory_space<any>>)
        } else {
        }
        %broadcast_in_dim3A = vector.shape_cast %squeeze3A : vector<64xf32> to vector<64x1xf32>
        %mul3A_356 = vector.broadcast %broadcast_in_dim3A : vector<64x1xf32> to vector<64x768xf32>
        %mul3A_357 = arith.mulf %dot_general3A_350, %mul3A_356 : vector<64x768xf32>
        %broadcast_in_dim3A_358 = vector.shape_cast %mul3A_357 : vector<64x768xf32> to vector<1x64x768xf32>
        %swap3A = arith.index_cast %rem3A_327 : i32 to index
        %swap3A_359 = arith.constant 0 : index
        %swap3A_360 = arith.constant 0 : index
        %swap3A_361 = vector.load %arg14[%swap3A, %swap3A_359, %swap3A_360] : memref<2x64x768xf32, #tpu.memory_space<vmem>>, vector<1x64x768xf32>
        tpu.vector_store %arg14[%swap3A, %swap3A_359, %swap3A_360], %broadcast_in_dim3A_358 {strides = array<i32>} : memref<2x64x768xf32, #tpu.memory_space<vmem>>, vector<1x64x768xf32>,
        %mul3A_362 = arith.constant 64 : i32
        %mul3A_363 = arith.muli %add3A_325, %mul3A_362 : i32
        %dma_start3A_364 = tpu.memref_slice %arg16[%rem3A_327] : memref<2x!tpu.dma_semaphore, #tpu.memory_space<semaphore_mem>> -> memref<1x!tpu.dma_semaphore, #tpu.memory_space<semaphore_mem>>
        %dma_start3A_365 = tpu.memref_squeeze %dma_start3A_364 : memref<1x!tpu.dma_semaphore, #tpu.memory_space<semaphore_mem>> -> memref<!tpu.dma_semaphore, #tpu.memory_space<semaphore_mem>>
        %dma_start3A_366 = arith.constant 0 : i32
        %dma_start3A_367 = tpu.memref_slice %arg9[%mul3A_363, %dma_start3A_366] : memref<6144x768xf32, #tpu.memory_space<any>> -> memref<64x768xf32, #tpu.memory_space<any>>
        %dma_start3A_368 = arith.constant 0 : i32
        %dma_start3A_369 = arith.constant 0 : i32
        %dma_start3A_370 = tpu.memref_slice %arg14[%rem3A_327, %dma_start3A_368, %dma_start3A_369] : memref<2x64x768xf32, #tpu.memory_space<vmem>> -> memref<1x64x768xf32, #tpu.memory_space<vmem>>
        %dma_start3A_371 = tpu.memref_squeeze %dma_start3A_370 : memref<1x64x768xf32, #tpu.memory_space<vmem>> -> memref<64x768xf32, #tpu.memory_space<vmem>>
        tpu.enqueue_dma source(%dma_start3A_371 : memref<64x768xf32, #tpu.memory_space<vmem>>) target(%dma_start3A_367 : memref<64x768xf32, #tpu.memory_space<any>>) target_semaphore(%dma_start3A_365 : memref<!tpu.dma_semaphore, #tpu.memory_space<semaphore_mem>>)
        %swap3A_372 = arith.index_cast %rem3A_327 : i32 to index
        %swap3A_373 = memref.load %arg17[%swap3A_372] : memref<2xi32, #tpu.memory_space<smem>>
        memref.store %add3A_325, %arg17[%swap3A_372] : memref<2xi32, #tpu.memory_space<smem>>
        %add3A_374 = arith.constant 1 : i32
        %add3A_375 = arith.addi %while3A_324, %add3A_374 : i32
        scf.yield %add3A_375 : i32
      }
      scf.yield %while3A_322 : i32
    }
    %scan3A_160 = arith.constant 64 : i32
    %ge3A = arith.constant 2 : i32
    %ge3A_161 = arith.cmpi sge, %scan3A_159, %ge3A : i32
    %convert_element_type3A = arith.extui %ge3A_161 : i1 to i32
    %cond3A = arith.constant 0 : i32
    %cond3A_162 = arith.cmpi ne, %convert_element_type3A, %cond3A : i32
    scf.if %cond3A_162 {
      %rem3A = arith.constant 2 : i32
      %rem3A_168 = arith.remsi %scan3A_159, %rem3A : i32
      %get3A = arith.index_cast %rem3A_168 : i32 to index
      %get3A_169 = memref.load %arg17[%get3A] : memref<2xi32, #tpu.memory_space<smem>>
      %mul3A = arith.constant 64 : i32
      %mul3A_170 = arith.muli %get3A_169, %mul3A : i32
      %dma_wait3A = tpu.memref_slice %arg16[%rem3A_168] : memref<2x!tpu.dma_semaphore, #tpu.memory_space<semaphore_mem>> -> memref<1x!tpu.dma_semaphore, #tpu.memory_space<semaphore_mem>>
      %dma_wait3A_171 = tpu.memref_squeeze %dma_wait3A : memref<1x!tpu.dma_semaphore, #tpu.memory_space<semaphore_mem>> -> memref<!tpu.dma_semaphore, #tpu.memory_space<semaphore_mem>>
      %dma_wait3A_172 = arith.constant 0 : i32
      %dma_wait3A_173 = tpu.memref_slice %arg9[%mul3A_170, %dma_wait3A_172] : memref<6144x768xf32, #tpu.memory_space<any>> -> memref<64x768xf32, #tpu.memory_space<any>>
      %dma_wait3A_174 = arith.constant 0 : i32
      %dma_wait3A_175 = arith.constant 0 : i32
      %dma_wait3A_176 = tpu.memref_slice %arg14[%rem3A_168, %dma_wait3A_174, %dma_wait3A_175] : memref<2x64x768xf32, #tpu.memory_space<vmem>> -> memref<1x64x768xf32, #tpu.memory_space<vmem>>
      %dma_wait3A_177 = tpu.memref_squeeze %dma_wait3A_176 : memref<1x64x768xf32, #tpu.memory_space<vmem>> -> memref<64x768xf32, #tpu.memory_space<vmem>>
      tpu.wait_dma2 semaphore(%dma_wait3A_171 : memref<!tpu.dma_semaphore, #tpu.memory_space<semaphore_mem>>) src(%dma_wait3A_177 : memref<64x768xf32, #tpu.memory_space<vmem>>) dst(%dma_wait3A_173 : memref<64x768xf32, #tpu.memory_space<any>>)
    } else {
    }
    %ge3A_163 = arith.constant 1 : i32
    %ge3A_164 = arith.cmpi sge, %scan3A_159, %ge3A_163 : i32
    %convert_element_type3A_165 = arith.extui %ge3A_164 : i1 to i32
    %cond3A_166 = arith.constant 0 : i32
    %cond3A_167 = arith.cmpi ne, %convert_element_type3A_165, %cond3A_166 : i32
    scf.if %cond3A_167 {
      %sub3A = arith.constant 1 : i32
      %sub3A_168 = arith.subi %scan3A_159, %sub3A : i32
      %rem3A = arith.constant 2 : i32
      %rem3A_169 = arith.remsi %sub3A_168, %rem3A : i32
      %get3A = arith.index_cast %rem3A_169 : i32 to index
      %get3A_170 = memref.load %arg17[%get3A] : memref<2xi32, #tpu.memory_space<smem>>
      %mul3A = arith.constant 64 : i32
      %mul3A_171 = arith.muli %get3A_170, %mul3A : i32
      %dma_wait3A = tpu.memref_slice %arg16[%rem3A_169] : memref<2x!tpu.dma_semaphore, #tpu.memory_space<semaphore_mem>> -> memref<1x!tpu.dma_semaphore, #tpu.memory_space<semaphore_mem>>
      %dma_wait3A_172 = tpu.memref_squeeze %dma_wait3A : memref<1x!tpu.dma_semaphore, #tpu.memory_space<semaphore_mem>> -> memref<!tpu.dma_semaphore, #tpu.memory_space<semaphore_mem>>
      %dma_wait3A_173 = arith.constant 0 : i32
      %dma_wait3A_174 = tpu.memref_slice %arg9[%mul3A_171, %dma_wait3A_173] : memref<6144x768xf32, #tpu.memory_space<any>> -> memref<64x768xf32, #tpu.memory_space<any>>
      %dma_wait3A_175 = arith.constant 0 : i32
      %dma_wait3A_176 = arith.constant 0 : i32
      %dma_wait3A_177 = tpu.memref_slice %arg14[%rem3A_169, %dma_wait3A_175, %dma_wait3A_176] : memref<2x64x768xf32, #tpu.memory_space<vmem>> -> memref<1x64x768xf32, #tpu.memory_space<vmem>>
      %dma_wait3A_178 = tpu.memref_squeeze %dma_wait3A_177 : memref<1x64x768xf32, #tpu.memory_space<vmem>> -> memref<64x768xf32, #tpu.memory_space<vmem>>
      tpu.wait_dma2 semaphore(%dma_wait3A_172 : memref<!tpu.dma_semaphore, #tpu.memory_space<semaphore_mem>>) src(%dma_wait3A_178 : memref<64x768xf32, #tpu.memory_space<vmem>>) dst(%dma_wait3A_174 : memref<64x768xf32, #tpu.memory_space<any>>)
    } else {
    }
    return
  }
  func.func @transform_0(%arg0: i32, %arg1: memref<64xi32, #tpu.memory_space<smem>>, %arg2: memref<64xi32, #tpu.memory_space<smem>>, %arg3: memref<6144xi32, #tpu.memory_space<smem>>) -> (i32, i32) {
    %c0_i32 = arith.constant 0 : i32
    %c0_i32_0 = arith.constant 0 : i32
    %c0_i32_1 = arith.constant 0 : i32
    return %c0_i32, %c0_i32_0 : i32, i32
  }
  func.func @transform_1(%arg0: i32, %arg1: memref<64xi32, #tpu.memory_space<smem>>, %arg2: memref<64xi32, #tpu.memory_space<smem>>, %arg3: memref<6144xi32, #tpu.memory_space<smem>>) -> (i32, i32) {
    %c0_i32 = arith.constant 0 : i32
    %c0_i32_0 = arith.constant 0 : i32
    %c0_i32_1 = arith.constant 0 : i32
    return %c0_i32, %c0_i32_0 : i32, i32
  }
}

</mosaic_0001>

<sc_bundles>
// kernel: kernel.5.cloned.1.call-start
scs
__scs_entry_jumppad:
0x0: {  	(pc) =	sbr.rel $0x88, $3  }
0x1: {  	(tag) =	ssettag $0x0;
	lr =	simm.s32 $0x1  }
0x2: {  	[smem:$0x3F9C] =	sst lr;
	_ =	strace $0xD0000000  }
0x3: {  	_ = 	snop  }
0x4: {  	_ = 	snop  }
0x5: {  	_ = 	snop  }
0x6: {  	_ = 	snop  }
0x7: {  	_ = 	snop  }
__scs_overlays_trampoline_lowered:
0x8: {  	[smem:$0x3FAB] =	sst s0  }
0x9: {  	[smem:$0x3FAC] =	sst s1  }
0xa: {  	[smem:$0x3FAD] =	sst s2  }
0xb: {  	[smem:$0x3FAE] =	sst s3  }
0xc: {  	[smem:$0x3FAF] =	sst s4  }
0xd: {  	[smem:$0x3FB0] =	sst s5  }
0xe: {  	[smem:$0x3FB1] =	sst s6  }
0xf: {  	[smem:$0x3FB2] =	sst s7  }
0x10: {  	[smem:$0x3FB3] =	sst s8  }
0x11: {  	[smem:$0x3FB4] =	sst s9;
	s0 =	simm.s32 @!p0 $0x0  }
0x12: {  	s1 =	sld [smem:$0x3F9A];
	s0 =	simm.s32 @p0 $0x1  }
0x13: {  	[smem:$0x3FB5] =	sst s0;
	s0 =	simm.s32 @!p1 $0x0  }
0x14: {  	s2 =	sld [smem:$0x3F99];
	s0 =	simm.s32 @p1 $0x1  }
0x15: {  	[smem:$0x3FB6] =	sst s0;
	s0 =	simm.s32 @!p2 $0x0  }
0x16: {  	s3 =	sld [smem:$0x3FDB];
	s0 =	simm.s32 @p2 $0x1  }
0x17: {  	s4 =	simm.s32 $0x1BF5;
	[smem:$0x3FB8] =	sst s0  }
0x18: {  	s0 =	sld [smem:$0x3F9B];
	_ =	swait.ge [sflag:s4], $0x0  }
0x19: {  	s7 =	sld [smem:$0x3F9C]  }
0x1a: {  	s8 =	sadd.s32 $0xFFFFE003, lr  }
0x1b: {  	s9 =	sadd.s32 $0xFFFFFEF7, lr;
	s5 =	simm.s32 $0xFFFFFFFF;
	p2 =	slt.u32 s8, $0xFFFFF086  }
0x1c: {  	p1 =	slt.u32 s9, $0xF7A;
	s5 =	simm.s32 @!p2 $0x0  }
0x1d: {  	s5 =	simm.s32 @p1 $0x1;
	p0 =	seq.s32 s7, s2  }
0x1e: {  	s7 =	smul.u32 @!p0 $0xF7A, s2;
	p2 =	seq.s32 @!p0 s5, $0x0  }
0x1f: {  	s9 =	smul.u32 $0xF7A, s1;
	s8 =	simm.s32 @!p0 $0x1BF5;
	p2 =	por !p2, p0  }
0x20: {  	[sflag:s8] =	ssyncset.s32 @!p0 $0xFFFFF086;
	s6 =	sadd.s32 @!p0 s3, s7;
	s7 =	simm.s32 @!p0 $0x108  }
0x21: {  	s3 =	sadd.s32 s3, s9;
	s6 =	sadd.s32 @!p0 $0x88, s6;
	s7 =	simm.s32 @p2 $0x1082  }
0x22: {  	[simem:s7], [sflag:s8] =	dma.local @!p0 [hbm:s6], $0xF7A  }
0x23: {  	s9 =	sor.u32 $0xD0000000, s2;
	s6 =	simm.s32 $0x108;
	_ =	swait.ge @!p0 [sflag:s8], $0x0  }
0x24: {  	s3 =	sadd.s32 $0x88, s3;
	s6 =	simm.s32 @!p1 $0x1082;
	[sflag:s4] =	ssyncset.s32 $0xFFFFF086  }
0x25: {  	[simem:s6], [sflag:s4] =	dma.local [hbm:s3], $0xF7A  }
0x26: {  	[smem:$0x3F9C] =	sst s1;
	(tag) =	ssettag s2;
	_ =	strace s9  }
0x27: {  	s1 =	sld [smem:$0x3FAC]  }
0x28: {  	s2 =	sld [smem:$0x3FAD]  }
0x29: {  	s4 =	sld [smem:$0x3FAF]  }
0x2a: {  	p0 =	seq.s32 s5, $0x0;
	s5 =	sld [smem:$0x3FB0]  }
0x2b: {  	s6 =	sld [smem:$0x3FB1]  }
0x2c: {  	s7 =	sld [smem:$0x3FB2]  }
0x2d: {  	s3 =	simm.s32 $0x108;
	s8 =	sld [smem:$0x3FB3]  }
0x2e: {  	s3 =	simm.s32 @!p0 $0x1082;
	s9 =	sld [smem:$0x3FB4]  }
0x2f: {  	lr =	sadd.s32 s0, s3;
	s0 =	sld [smem:$0x3FAB]  }
0x30: {  	s3 =	sld [smem:$0x3FAE]  }
0x31: {  	[smem:$0x3FB7] =	sst s10  }
0x32: {  	s10 =	sld [smem:$0x3FB5];
	_ =	sdelay $0x3  }
0x33: {  	p0 =	seq.s32 s10, $0x1;
	s10 =	sld [smem:$0x3FB7];
	_ =	sdelay $0x3  }
0x34: {  	[smem:$0x3FB7] =	sst s10  }
0x35: {  	s10 =	sld [smem:$0x3FB6];
	_ =	sdelay $0x3  }
0x36: {  	p1 =	seq.s32 s10, $0x1;
	s10 =	sld [smem:$0x3FB7];
	_ =	sdelay $0x3  }
0x37: {  	[smem:$0x3FB7] =	sst s10  }
0x38: {  	s10 =	sld [smem:$0x3FB8]  }
0x39: {  	_ = 	snop;
	(pc) =	sbr.ind lr, $3  }
0x3a: {  	_ = 	snop  }
0x3b: {  	_ = 	snop  }
0x3c: {  	p2 =	seq.s32 s10, $0x1;
	s10 =	sld [smem:$0x3FB7]  }
0x3d: {  	_ =	shalt  }
0x3e: {  	_ =	shalt  }
0x3f: {  	_ =	shalt  }
0x40: {  	_ =	shalt  }
0x41: {  	_ =	shalt  }
0x42: {  	_ =	shalt  }
0x43: {  	_ =	shalt  }
0x44: {  	_ =	shalt  }
0x45: {  	_ =	shalt  }
0x46: {  	_ =	shalt  }
0x47: {  	_ =	shalt  }
0x48: {  	_ =	shalt  }
0x49: {  	_ =	shalt  }
0x4a: {  	_ =	shalt  }
0x4b: {  	_ =	shalt  }
0x4c: {  	_ =	shalt  }
0x4d: {  	_ =	shalt  }
0x4e: {  	_ =	shalt  }
0x4f: {  	_ =	shalt  }
0x50: {  	_ =	shalt  }
0x51: {  	_ =	shalt  }
0x52: {  	_ =	shalt  }
0x53: {  	_ =	shalt  }
0x54: {  	_ =	shalt  }
0x55: {  	_ =	shalt  }
0x56: {  	_ =	shalt  }
0x57: {  	_ =	shalt  }
0x58: {  	_ =	shalt  }
0x59: {  	_ =	shalt  }
0x5a: {  	_ =	shalt  }
0x5b: {  	_ =	shalt  }
0x5c: {  	_ =	shalt  }
0x5d: {  	_ =	shalt  }
0x5e: {  	_ =	shalt  }
0x5f: {  	_ =	shalt  }
0x60: {  	_ =	shalt  }
0x61: {  	_ =	shalt  }
0x62: {  	_ =	shalt  }
0x63: {  	_ =	shalt  }
0x64: {  	_ =	shalt  }
0x65: {  	_ =	shalt  }
0x66: {  	_ =	shalt  }
0x67: {  	_ =	shalt  }
0x68: {  	_ =	shalt  }
0x69: {  	_ =	shalt  }
0x6a: {  	_ =	shalt  }
0x6b: {  	_ =	shalt  }
0x6c: {  	_ =	shalt  }
0x6d: {  	_ =	shalt  }
0x6e: {  	_ =	shalt  }
0x6f: {  	_ =	shalt  }
0x70: {  	_ =	shalt  }
0x71: {  	_ =	shalt  }
0x72: {  	_ =	shalt  }
0x73: {  	_ =	shalt  }
0x74: {  	_ =	shalt  }
0x75: {  	_ =	shalt  }
0x76: {  	_ =	shalt  }
0x77: {  	_ =	shalt  }
0x78: {  	_ =	shalt  }
0x79: {  	_ =	shalt  }
0x7a: {  	_ =	shalt  }
0x7b: {  	_ =	shalt  }
0x7c: {  	_ =	shalt  }
0x7d: {  	_ =	shalt  }
0x7e: {  	_ =	shalt  }
0x7f: {  	_ =	shalt  }
0x80: {  	_ =	shalt  }
0x81: {  	_ =	shalt  }
0x82: {  	_ =	shalt  }
0x83: {  	_ =	shalt  }
0x84: {  	_ =	shalt  }
0x85: {  	_ =	shalt  }
0x86: {  	_ =	shalt  }
0x87: {  	_ =	shalt  }
.Lfunc_end0:
.L_simem_size_0:
called_computation.1_lowered:
.L_overlay_start_0:
0x88: {  	s2 =	sld [smem:$0x3FD9]  }
0x89: {  	s3 =	sld [smem:$0x3FFE];
	_ =	sdelay $0x1  }
0x8a: {  	s1 =	srdreg.scid  }
0x8b: {  	s0 =	sand.u32 $0x1, s1  }
0x8c: {  	s17 =	sshll.u32 s0, $0xA;
	s2 =	sadd.s32 s3, s2  }
0x8d: {  	s2 =	sadd.s32 s2, s17  }
0x8e: {  	[smem:$0x3FC3] =	sst s2  }
0x8f: {  	_ = 	snop  }
0x90: {  	s2 =	sld [smem:$0x3FD0];
	(tm) =	ssettm $0x1  }
0x91: {  	s18 =	sld [smem:$0x3FFB];
	_ =	sdelay $0x3  }
0x92: {  	_ =	strace s18  }
0x93: {  	s3 =	sld [smem:$0x3FFC];
	_ =	sdelay $0x3  }
0x94: {  	_ =	strace s3  }
0x95: {  	s3 =	sld [smem:$0x3FFD];
	_ =	sdelay $0x3  }
0x96: {  	_ =	strace s3  }
0x97: {  	_ =	strace $0x8FFFFFFF  }
0x98: {  	s19 =	sld [smem:$0x3FDB];
	_ =	sdelay $0x1  }
0x99: {  	s4 =	simm.s32 $_scs_section_size  }
0x9a: {  	s5 =	simm.s32 $_size__tile_overlayer_lowered;
	s6 =	simm.s32 $_tile_overlayer_lowered  }
0x9b: {  	s22 =	simm.s32 $0x1BFF;
	s21 =	sshll.u32 s6, $0x1;
	s3 =	sadd.s32 s4, s19  }
0x9c: {  	s7 =	simm.s32 $0x0;
	s20 =	sshll.u32 s5, $0x1;
	s5 =	sadd.s32 s21, s3  }
0x9d: {  	[timem:s7], [sflag:s22] =	dma.local [hbm:s5], s20  }
0x9e: {  	_ =	swait.ge [sflag:s22], s20  }
0x9f: {  	s4 =	ssub.s32 $0x0, s20;
	[sflag:s22] =	ssyncset.done $0x0  }
0xa0: {  	[sflag:s22] =	ssyncadd.s32 s4;
	_ =	sdelay $0x1  }
0xa1: {  	s23 =	simm.s32 $0x1B8B  }
0xa2: {  	_ =	swait.ge [sflag:s23], $0x1  }
0xa3: {  	[sflag:s23] =	ssyncset.done $0x0  }
0xa4: {  	s25 =	simm.s32 $0x1B8E;
	s24 =	sld [smem:$0x3FFE];
	[sflag:s23] =	ssyncadd.s32 $0xFFFFFFFF  }
0xa5: {  	s26 =	simm.s32 $execute0_lowered;
	[smem:$0x3FD2] =	sst s25  }
0xa6: {  	s5 =	sshll.u32 s26, $0x1;
	_ =	strace $0x80000049;
	[dreg:$0x1] =	wrdreg $0xFFFFFFFF  }
0xa7: {  	s28 =	simm.s32 $_size_execute0_lowered;
	s3 =	sadd.s32 s3, s5;
	[dreg:$0x0] =	wrdreg $0x0  }
0xa8: {  	s5 =	sshll.u32 s28, $0x1;
	[dreg:$0x2] =	wrdreg s3  }
0xa9: {  	[dreg:$0x3] =	wrdreg s5  }
0xaa: {  	[dreg:$0x4] =	wrdreg $0xC0  }
0xab: {  	_ =	task [dreg:s7], $0x5FFFF  }
0xac: {  	[dreg:$0x1] =	wrdreg $0xFFFFFFFF  }
0xad: {  	[dreg:$0x0] =	wrdreg $0x60  }
0xae: {  	[dreg:$0x2] =	wrdreg s24  }
0xaf: {  	[dreg:$0x3] =	wrdreg s2  }
0xb0: {  	[dreg:$0x4] =	wrdreg $0x9  }
0xb1: {  	_ =	task.clear_ibuf [dreg:s7], $0x5FFFF;
	_ =	strace $0x90000049  }
0xb2: {  	s29 =	simm.s32 $0x9;
	_ =	strace $0x8000004B  }
0xb3: {  	_ =	swait.ge [sflag:s29], $0x1  }
0xb4: {  	[sflag:s29] =	ssyncadd.s32 $0xFFFFFFFF  }
0xb5: {  	_ =	strace $0x9000004B  }
0xb6: {  	_ =	sfence  }
0xb7: {  	s30 =	sld [smem:$0x0];
	_ =	sdelay $0x2  }
0xb8: {  	s31 =	sshll.u32 s1, $0xD;
	s1 =	sshrl.u32 s1, $0x2  }
0xb9: {  	s3 =	sand.u32 $0x4000, s31;
	s1 =	sadd.s32 s1, s30  }
0xba: {  	s0 =	sor.u32 s3, s0;
	s1 =	sshll.u32 s1, $0x11  }
0xbb: {  	s0 =	sor.u32 s1, s0  }
0xbc: {  	s0 =	sadd.s32 $0x8F2B, s0  }
0xbd: {  	[sflag:s0] =	ssyncadd.remote.s32 $0x1  }
0xbe: {  	_ =	sfence.sel $0xFFFF  }
0xbf: {  	[dreg:$0x0] =	wrdreg $0xFFFFFFFF;
	(pc) =	sbr.abs _section_cstart, $3  }
0xc0: {  	[dreg:$0x1] =	wrdreg $0xFFFFFFFF  }
0xc1: {  	_ =	task.clear_ibuf [dreg:s7], $0x2FFFF;
	_ =	strace $0x9FFFFFFF  }
0xc2: {  	(tm) =	ssettm $0x7FFFFFFF  }
0xc3: {  	_ =	shalt  }
tec
execute0_lowered:
.L_overlay_start_1:
0x0: {  	(tag) =	ssettag $0x1  }
0x1: {  	s0 =	rddreg [dreg:$0x0]  }
0x2: {  	s5 =	rddreg [dreg:$0x1];
	s3 =	srdreg.scid  }
0x3: {  	s2 =	simm.s32 $0x0;
	s1 =	stileid.u32;
	s26 =	simm.s32 $0x880  }
0x4: {  	s10 =	simm.s32 $0x1880;
	s11 =	simm.s32 $0x2080;
	s12 =	simm.s32 $0x2880  }
0x5: {  	s13 =	simm.s32 $0x3080;
	s14 =	simm.s32 $0x3880;
	s15 =	simm.s32 $0x4080  }
0x6: {  	s16 =	simm.s32 $0x4880;
	s17 =	simm.s32 $0x5080;
	s18 =	simm.s32 $0x5880  }
0x7: {  	s19 =	simm.s32 $0x6080;
	s20 =	simm.s32 $0x6880;
	s21 =	simm.s32 $0x7080  }
0x8: {  	s22 =	simm.s32 $0x7880;
	s28 =	simm.s32 $0xA080;
	s29 =	simm.s32 $0xA880  }
0x9: {  	s30 =	simm.s32 $0xB080;
	s31 =	simm.s32 $0xB880;
	s3 =	sand.u32 $0x1, s3  }
0xa: {  	[smem:$0x7FF] =	sst s2;
	s4 =	sshll.u32 s1, $0x4;
	s6 =	sshll.u32 s3, $0x3  }
0xb: {  	_ =	strace $0x8000004A;
	s23 =	ssub.s32 $0x2, s3;
	s3 =	sadd.s32 $0xC00, s0  }
0xc: {  	[dreg:$0x5] =	wrdreg s26;
	s26 =	simm.s32 $0x9880;
	s4 =	sor.u32 s6, s4  }
0xd: {  	s8 =	sshrl.u32 s23, $0x1;
	s7 =	sadd.s32 s4, s0;
	s9 =	smul.u32 $0x300, s4  }
0xe: {  	s6 =	ssub.s32 s23, s8;
	s4 =	sadd.s32 $0xD00, s0;
	s8 =	simm.s32 $0x80  }
0xf: {  	s23 =	simm.s32 $0x8080;
	s24 =	sadd.s32 $0x400, s7;
	s6 =	smax.u32 s6, $0x1  }
0x10: {  	v2 =	vlaneseq.u32;
	s7 =	simm.s32 $0x2;
	[dreg:$0x3] =	wrdreg s24;
	s25 =	sadd.s32 s5, s9  }
0x11: {  	vm0 =	vmmov $0xffff;
	v1 =	vshrl.u32 v2, $0x3;
	s5 =	sadd.s32 $0xE00, s0;
	s9 =	simm.s32 $0x1080;
	s24 =	simm.s32 $0x8880  }
0x12: {  	v0 =	vand.u32 $0x7, v2;
	v2 =	vor.u32 $0x8, v2;
	v1 =	vmul.u32 $0x8, v1;
	s0 =	simm.s32 $0x1;
	[dreg:$0x4] =	wrdreg s25;
	s25 =	simm.s32 $0x9080  }
.LBB2_1:
0x13: {  	s1 =	rddreg [dreg:$0x3]  }
0x14: {  	[tilespmem:s2], [sflag:$0x2] =	stream.linear.gather [hbm4b:s1+s2], $0x40, $0x38;
	[tilespmem:$0xC080] =	vst v63  }
0x15: {  	_ =	swait.ge [sflag:s7], $0x40  }
0x16: {  	[sflag:s7] =	ssyncset.done $0x0  }
0x17: {  	[sflag:s7] =	ssyncadd.s32 $0xFFFFFFC0  }
0x18: {  	v3 =	vld [tilespmem:$0x0];
	_ =	sdelay $0x4  }
0x19: {  	v4 =	vshrl.u32 v3, $0x3  }
0x1a: {  	v4 =	vmul.u32 $0x30, v4  }
0x1b: {  	v3 =	vand.u32 $0x7, v3  }
0x1c: {  	v3 =	vor.u32 v3, v4  }
0x1d: {  	v4 =	vperm.xlane v3, v0;
	_ =	sdelay $0x1  }
0x1e: {  	v4 =	vadd.s32 v1, v4;
	_ =	sdelay $0x3  }
0x1f: {  	v3 =	vperm.xlane v3, v2  }
0x20: {  	[tilespmem:s8], [sflag:$0x1] =	stream.indirect_vreg.gather [hbm4b:s3+s2], $0x80, v4, vm0, $0xb8;
	[tilespmem:$0xC080] =	vst v63  }
0x21: {  	s1 =	rddreg [dreg:$0x5];
	v3 =	vadd.s32 v1, v3  }
0x22: {  	[tilespmem:s1], [sflag:$0x1] =	stream.indirect_vreg.gather [hbm4b:s4+s2], $0x80, v4, vm0, $0xb8;
	[tilespmem:$0xC080] =	vst v63  }
0x23: {  	_ = 	snop  }
0x24: {  	[tilespmem:s9], [sflag:$0x1] =	stream.indirect_vreg.gather [hbm4b:s5+s2], $0x80, v4, vm0, $0xb8;
	[tilespmem:$0xC080] =	vst v63  }
0x25: {  	_ = 	snop  }
0x26: {  	[tilespmem:s10], [sflag:$0x1] =	stream.indirect_vreg.gather [hbm4b:s3+s2], $0x80, v3, vm0, $0xb8;
	[tilespmem:$0xC080] =	vst v63  }
0x27: {  	_ = 	snop  }
0x28: {  	[tilespmem:s11], [sflag:$0x1] =	stream.indirect_vreg.gather [hbm4b:s4+s2], $0x80, v3, vm0, $0xb8;
	[tilespmem:$0xC080] =	vst v63  }
0x29: {  	_ = 	snop  }
0x2a: {  	[tilespmem:s12], [sflag:$0x1] =	stream.indirect_vreg.gather [hbm4b:s5+s2], $0x80, v3, vm0, $0xb8;
	[tilespmem:$0xC080] =	vst v63  }
0x2b: {  	v3 =	vld [tilespmem:$0x10];
	_ =	sdelay $0x4  }
0x2c: {  	v61 =	vshrl.u32 v3, $0x3  }
0x2d: {  	v4 =	vmul.u32 $0x30, v61  }
0x2e: {  	v3 =	vand.u32 $0x7, v3  }
0x2f: {  	v3 =	vor.u32 v3, v4  }
0x30: {  	v4 =	vperm.xlane v3, v0;
	_ =	sdelay $0x1  }
0x31: {  	v4 =	vadd.s32 v1, v4;
	_ =	sdelay $0x3  }
0x32: {  	v3 =	vperm.xlane v3, v2  }
0x33: {  	[tilespmem:s13], [sflag:$0x1] =	stream.indirect_vreg.gather [hbm4b:s3+s2], $0x80, v4, vm0, $0xb8;
	[tilespmem:$0xC080] =	vst v63  }
0x34: {  	v3 =	vadd.s32 v1, v3  }
0x35: {  	[tilespmem:s14], [sflag:$0x1] =	stream.indirect_vreg.gather [hbm4b:s4+s2], $0x80, v4, vm0, $0xb8;
	[tilespmem:$0xC080] =	vst v63  }
0x36: {  	_ = 	snop  }
0x37: {  	[tilespmem:s15], [sflag:$0x1] =	stream.indirect_vreg.gather [hbm4b:s5+s2], $0x80, v4, vm0, $0xb8;
	[tilespmem:$0xC080] =	vst v63  }
0x38: {  	_ = 	snop  }
0x39: {  	[tilespmem:s16], [sflag:$0x1] =	stream.indirect_vreg.gather [hbm4b:s3+s2], $0x80, v3, vm0, $0xb8;
	[tilespmem:$0xC080] =	vst v63  }
0x3a: {  	_ = 	snop  }
0x3b: {  	[tilespmem:s17], [sflag:$0x1] =	stream.indirect_vreg.gather [hbm4b:s4+s2], $0x80, v3, vm0, $0xb8;
	[tilespmem:$0xC080] =	vst v63  }
0x3c: {  	_ = 	snop  }
0x3d: {  	[tilespmem:s18], [sflag:$0x1] =	stream.indirect_vreg.gather [hbm4b:s5+s2], $0x80, v3, vm0, $0xb8;
	[tilespmem:$0xC080] =	vst v63  }
0x3e: {  	v3 =	vld [tilespmem:$0x20];
	_ =	sdelay $0x4  }
0x3f: {  	v62 =	vshrl.u32 v3, $0x3  }
0x40: {  	v4 =	vmul.u32 $0x30, v62  }
0x41: {  	v3 =	vand.u32 $0x7, v3  }
0x42: {  	v3 =	vor.u32 v3, v4  }
0x43: {  	v4 =	vperm.xlane v3, v0;
	_ =	sdelay $0x1  }
0x44: {  	v4 =	vadd.s32 v1, v4;
	_ =	sdelay $0x3  }
0x45: {  	v3 =	vperm.xlane v3, v2  }
0x46: {  	[tilespmem:s19], [sflag:$0x1] =	stream.indirect_vreg.gather [hbm4b:s3+s2], $0x80, v4, vm0, $0xb8;
	[tilespmem:$0xC080] =	vst v63  }
0x47: {  	v3 =	vadd.s32 v1, v3  }
0x48: {  	[tilespmem:s20], [sflag:$0x1] =	stream.indirect_vreg.gather [hbm4b:s4+s2], $0x80, v4, vm0, $0xb8;
	[tilespmem:$0xC080] =	vst v63  }
0x49: {  	_ = 	snop  }
0x4a: {  	[tilespmem:s21], [sflag:$0x1] =	stream.indirect_vreg.gather [hbm4b:s5+s2], $0x80, v4, vm0, $0xb8;
	[tilespmem:$0xC080] =	vst v63  }
0x4b: {  	_ = 	snop  }
0x4c: {  	[tilespmem:s22], [sflag:$0x1] =	stream.indirect_vreg.gather [hbm4b:s3+s2], $0x80, v3, vm0, $0xb8;
	[tilespmem:$0xC080] =	vst v63  }
0x4d: {  	_ = 	snop  }
0x4e: {  	[tilespmem:s23], [sflag:$0x1] =	stream.indirect_vreg.gather [hbm4b:s4+s2], $0x80, v3, vm0, $0xb8;
	[tilespmem:$0xC080] =	vst v63  }
0x4f: {  	_ = 	snop  }
0x50: {  	[tilespmem:s24], [sflag:$0x1] =	stream.indirect_vreg.gather [hbm4b:s5+s2], $0x80, v3, vm0, $0xb8;
	[tilespmem:$0xC080] =	vst v63  }
0x51: {  	v3 =	vld [tilespmem:$0x30];
	_ =	sdelay $0x4  }
0x52: {  	v63 =	vshrl.u32 v3, $0x3  }
0x53: {  	v4 =	vmul.u32 $0x30, v63  }
0x54: {  	v3 =	vand.u32 $0x7, v3  }
0x55: {  	v3 =	vor.u32 v3, v4  }
0x56: {  	v4 =	vperm.xlane v3, v0;
	_ =	sdelay $0x1  }
0x57: {  	v4 =	vadd.s32 v1, v4;
	_ =	sdelay $0x3  }
0x58: {  	v3 =	vperm.xlane v3, v2  }
0x59: {  	[tilespmem:s25], [sflag:$0x1] =	stream.indirect_vreg.gather [hbm4b:s3+s2], $0x80, v4, vm0, $0xb8;
	[tilespmem:$0xC080] =	vst v63  }
0x5a: {  	v3 =	vadd.s32 v1, v3  }
0x5b: {  	[tilespmem:s26], [sflag:$0x1] =	stream.indirect_vreg.gather [hbm4b:s4+s2], $0x80, v4, vm0, $0xb8;
	[tilespmem:$0xC080] =	vst v63  }
0x5c: {  	_ = 	snop  }
0x5d: {  	[tilespmem:s28], [sflag:$0x1] =	stream.indirect_vreg.gather [hbm4b:s5+s2], $0x80, v4, vm0, $0xb8;
	[tilespmem:$0xC080] =	vst v63  }
0x5e: {  	_ = 	snop  }
0x5f: {  	[tilespmem:s29], [sflag:$0x1] =	stream.indirect_vreg.gather [hbm4b:s3+s2], $0x80, v3, vm0, $0xb8;
	[tilespmem:$0xC080] =	vst v63  }
0x60: {  	_ = 	snop  }
0x61: {  	[tilespmem:s30], [sflag:$0x1] =	stream.indirect_vreg.gather [hbm4b:s4+s2], $0x80, v3, vm0, $0xb8;
	[tilespmem:$0xC080] =	vst v63  }
0x62: {  	_ = 	snop  }
0x63: {  	[tilespmem:s31], [sflag:$0x1] =	stream.indirect_vreg.gather [hbm4b:s5+s2], $0x80, v3, vm0, $0xb8;
	[tilespmem:$0xC080] =	vst v63  }
0x64: {  	_ =	swait.ge [sflag:s0], $0xC000  }
0x65: {  	p0 =	sne.s32 s6, $0x1;
	[sflag:s0] =	ssyncset.done $0x0  }
.Ltmp0:
0x66: {  	s1 =	rddreg [dreg:$0x4];
	[sflag:s0] =	ssyncadd.s32 $0xFFFF4000;
	(pc) =	sbr.rel @p0 .LBB2_1-.Ltmp0, $4  }
0x67: {  	[hbm4b:s1+s2] =	stream.linear.scatter [tilespmem:s8], [sflag:$0x2], $0xC000, $0x38;
	[tilespmem:$0xC080] =	vst v63  }
0x68: {  	_ =	swait.ge [sflag:s7], $0xC000  }
0x69: {  	[sflag:s7] =	ssyncset.done $0x0  }
0x6a: {  	s6 =	sadd.s32 $0xFFFFFFFF, s6;
	[sflag:s7] =	ssyncadd.s32 $0xFFFF4000  }
0x6b: {  	_ =	sfence.sel $0x180000  }
0x6c: {  	[bflag:$0x0] =	sbarrier.arrive $0xFFFF  }
0x6d: {  	_ =	strace $0x9000004A  }
0x6e: {  	s0 =	stileid.u32;
	[bflag:$0x2] =	sbarrier.arrive $0xFFFF  }
0x6f: {  	p0 =	sne.s32 s0, $0x0;
	s0 =	rddreg [dreg:$0x2]  }
0x70: {  	s0 =	sadd.s32 @!p0 $0x100000, s0  }
0x71: {  	[sflag:s0] =	ssyncadd.tile.s32 @!p0 $0x1;
	_ =	shalt  }
.Lfunc_end2:
_tile_overlayer_lowered:
.L_overlay_start_2:
0x72: {  	(tag) =	ssettag $0x2  }
0x73: {  	s0 =	rddreg [dreg:$0x0];
	s2 =	stileid.u32  }
0x74: {  	s1 =	rddreg [dreg:$0x1];
	p0 =	sne.s32 s2, $0x0  }
0x75: {  	s3 =	rddreg [dreg:$0x2];
	[bflag:$0x3] =	sbarrier.arrive $0xFFFF;
	s2 =	simm.s32 @!p0 $0x1C02  }
0x76: {  	[timem:s3], [sflag:s2] =	dma.local @!p0 [hbm:s0], s1  }
0x77: {  	s0 =	simm.s32 @!p0 $0x2  }
0x78: {  	_ =	swait.ge @!p0 [sflag:s0], s1  }
0x79: {  	s1 =	ssub.s32 @!p0 $0x0, s1;
	[sflag:s0] =	ssyncset.done @!p0 $0x0  }
0x7a: {  	[sflag:s0] =	ssyncadd.s32 @!p0 s1  }
0x7b: {  	[bflag:$0x3] =	sbarrier.arrive $0xFFFF  }
0x7c: {  	_ =	shalt  }

// kernel: scatter_offload_async_start
scs
__scs_entry_jumppad:
0x0: {  	(pc) =	sbr.rel $0x88, $3  }
0x1: {  	(tag) =	ssettag $0x0;
	lr =	simm.s32 $0x1  }
0x2: {  	[smem:$0x3F9C] =	sst lr;
	_ =	strace $0xD0000000  }
0x3: {  	_ = 	snop  }
0x4: {  	_ = 	snop  }
0x5: {  	_ = 	snop  }
0x6: {  	_ = 	snop  }
0x7: {  	_ = 	snop  }
__scs_overlays_trampoline_lowered:
0x8: {  	[smem:$0x3FAB] =	sst s0  }
0x9: {  	[smem:$0x3FAC] =	sst s1  }
0xa: {  	[smem:$0x3FAD] =	sst s2  }
0xb: {  	[smem:$0x3FAE] =	sst s3  }
0xc: {  	[smem:$0x3FAF] =	sst s4  }
0xd: {  	[smem:$0x3FB0] =	sst s5  }
0xe: {  	[smem:$0x3FB1] =	sst s6  }
0xf: {  	[smem:$0x3FB2] =	sst s7  }
0x10: {  	[smem:$0x3FB3] =	sst s8  }
0x11: {  	[smem:$0x3FB4] =	sst s9;
	s0 =	simm.s32 @!p0 $0x0  }
0x12: {  	s1 =	sld [smem:$0x3F9A];
	s0 =	simm.s32 @p0 $0x1  }
0x13: {  	[smem:$0x3FB5] =	sst s0;
	s0 =	simm.s32 @!p1 $0x0  }
0x14: {  	s2 =	sld [smem:$0x3F99];
	s0 =	simm.s32 @p1 $0x1  }
0x15: {  	[smem:$0x3FB6] =	sst s0;
	s0 =	simm.s32 @!p2 $0x0  }
0x16: {  	s3 =	sld [smem:$0x3FDB];
	s0 =	simm.s32 @p2 $0x1  }
0x17: {  	s4 =	simm.s32 $0x1BF5;
	[smem:$0x3FB8] =	sst s0  }
0x18: {  	s0 =	sld [smem:$0x3F9B];
	_ =	swait.ge [sflag:s4], $0x0  }
0x19: {  	s7 =	sld [smem:$0x3F9C]  }
0x1a: {  	s8 =	sadd.s32 $0xFFFFE003, lr  }
0x1b: {  	s9 =	sadd.s32 $0xFFFFFEF7, lr;
	s5 =	simm.s32 $0xFFFFFFFF;
	p2 =	slt.u32 s8, $0xFFFFF086  }
0x1c: {  	p1 =	slt.u32 s9, $0xF7A;
	s5 =	simm.s32 @!p2 $0x0  }
0x1d: {  	s5 =	simm.s32 @p1 $0x1;
	p0 =	seq.s32 s7, s2  }
0x1e: {  	s7 =	smul.u32 @!p0 $0xF7A, s2;
	p2 =	seq.s32 @!p0 s5, $0x0  }
0x1f: {  	s9 =	smul.u32 $0xF7A, s1;
	s8 =	simm.s32 @!p0 $0x1BF5;
	p2 =	por !p2, p0  }
0x20: {  	[sflag:s8] =	ssyncset.s32 @!p0 $0xFFFFF086;
	s6 =	sadd.s32 @!p0 s3, s7;
	s7 =	simm.s32 @!p0 $0x108  }
0x21: {  	s3 =	sadd.s32 s3, s9;
	s6 =	sadd.s32 @!p0 $0x88, s6;
	s7 =	simm.s32 @p2 $0x1082  }
0x22: {  	[simem:s7], [sflag:s8] =	dma.local @!p0 [hbm:s6], $0xF7A  }
0x23: {  	s9 =	sor.u32 $0xD0000000, s2;
	s6 =	simm.s32 $0x108;
	_ =	swait.ge @!p0 [sflag:s8], $0x0  }
0x24: {  	s3 =	sadd.s32 $0x88, s3;
	s6 =	simm.s32 @!p1 $0x1082;
	[sflag:s4] =	ssyncset.s32 $0xFFFFF086  }
0x25: {  	[simem:s6], [sflag:s4] =	dma.local [hbm:s3], $0xF7A  }
0x26: {  	[smem:$0x3F9C] =	sst s1;
	(tag) =	ssettag s2;
	_ =	strace s9  }
0x27: {  	s1 =	sld [smem:$0x3FAC]  }
0x28: {  	s2 =	sld [smem:$0x3FAD]  }
0x29: {  	s4 =	sld [smem:$0x3FAF]  }
0x2a: {  	p0 =	seq.s32 s5, $0x0;
	s5 =	sld [smem:$0x3FB0]  }
0x2b: {  	s6 =	sld [smem:$0x3FB1]  }
0x2c: {  	s7 =	sld [smem:$0x3FB2]  }
0x2d: {  	s3 =	simm.s32 $0x108;
	s8 =	sld [smem:$0x3FB3]  }
0x2e: {  	s3 =	simm.s32 @!p0 $0x1082;
	s9 =	sld [smem:$0x3FB4]  }
0x2f: {  	lr =	sadd.s32 s0, s3;
	s0 =	sld [smem:$0x3FAB]  }
0x30: {  	s3 =	sld [smem:$0x3FAE]  }
0x31: {  	[smem:$0x3FB7] =	sst s10  }
0x32: {  	s10 =	sld [smem:$0x3FB5];
	_ =	sdelay $0x3  }
0x33: {  	p0 =	seq.s32 s10, $0x1;
	s10 =	sld [smem:$0x3FB7];
	_ =	sdelay $0x3  }
0x34: {  	[smem:$0x3FB7] =	sst s10  }
0x35: {  	s10 =	sld [smem:$0x3FB6];
	_ =	sdelay $0x3  }
0x36: {  	p1 =	seq.s32 s10, $0x1;
	s10 =	sld [smem:$0x3FB7];
	_ =	sdelay $0x3  }
0x37: {  	[smem:$0x3FB7] =	sst s10  }
0x38: {  	s10 =	sld [smem:$0x3FB8]  }
0x39: {  	_ = 	snop;
	(pc) =	sbr.ind lr, $3  }
0x3a: {  	_ = 	snop  }
0x3b: {  	_ = 	snop  }
0x3c: {  	p2 =	seq.s32 s10, $0x1;
	s10 =	sld [smem:$0x3FB7]  }
0x3d: {  	_ =	shalt  }
0x3e: {  	_ =	shalt  }
0x3f: {  	_ =	shalt  }
0x40: {  	_ =	shalt  }
0x41: {  	_ =	shalt  }
0x42: {  	_ =	shalt  }
0x43: {  	_ =	shalt  }
0x44: {  	_ =	shalt  }
0x45: {  	_ =	shalt  }
0x46: {  	_ =	shalt  }
0x47: {  	_ =	shalt  }
0x48: {  	_ =	shalt  }
0x49: {  	_ =	shalt  }
0x4a: {  	_ =	shalt  }
0x4b: {  	_ =	shalt  }
0x4c: {  	_ =	shalt  }
0x4d: {  	_ =	shalt  }
0x4e: {  	_ =	shalt  }
0x4f: {  	_ =	shalt  }
0x50: {  	_ =	shalt  }
0x51: {  	_ =	shalt  }
0x52: {  	_ =	shalt  }
0x53: {  	_ =	shalt  }
0x54: {  	_ =	shalt  }
0x55: {  	_ =	shalt  }
0x56: {  	_ =	shalt  }
0x57: {  	_ =	shalt  }
0x58: {  	_ =	shalt  }
0x59: {  	_ =	shalt  }
0x5a: {  	_ =	shalt  }
0x5b: {  	_ =	shalt  }
0x5c: {  	_ =	shalt  }
0x5d: {  	_ =	shalt  }
0x5e: {  	_ =	shalt  }
0x5f: {  	_ =	shalt  }
0x60: {  	_ =	shalt  }
0x61: {  	_ =	shalt  }
0x62: {  	_ =	shalt  }
0x63: {  	_ =	shalt  }
0x64: {  	_ =	shalt  }
0x65: {  	_ =	shalt  }
0x66: {  	_ =	shalt  }
0x67: {  	_ =	shalt  }
0x68: {  	_ =	shalt  }
0x69: {  	_ =	shalt  }
0x6a: {  	_ =	shalt  }
0x6b: {  	_ =	shalt  }
0x6c: {  	_ =	shalt  }
0x6d: {  	_ =	shalt  }
0x6e: {  	_ =	shalt  }
0x6f: {  	_ =	shalt  }
0x70: {  	_ =	shalt  }
0x71: {  	_ =	shalt  }
0x72: {  	_ =	shalt  }
0x73: {  	_ =	shalt  }
0x74: {  	_ =	shalt  }
0x75: {  	_ =	shalt  }
0x76: {  	_ =	shalt  }
0x77: {  	_ =	shalt  }
0x78: {  	_ =	shalt  }
0x79: {  	_ =	shalt  }
0x7a: {  	_ =	shalt  }
0x7b: {  	_ =	shalt  }
0x7c: {  	_ =	shalt  }
0x7d: {  	_ =	shalt  }
0x7e: {  	_ =	shalt  }
0x7f: {  	_ =	shalt  }
0x80: {  	_ =	shalt  }
0x81: {  	_ =	shalt  }
0x82: {  	_ =	shalt  }
0x83: {  	_ =	shalt  }
0x84: {  	_ =	shalt  }
0x85: {  	_ =	shalt  }
0x86: {  	_ =	shalt  }
0x87: {  	_ =	shalt  }
.Lfunc_end0:
.L_simem_size_0:
called_computation_lowered:
.L_overlay_start_0:
0x88: {  	s0 =	sld [smem:$0x3FD9]  }
0x89: {  	s1 =	sld [smem:$0x3FFE];
	_ =	sdelay $0x3  }
0x8a: {  	s0 =	sadd.s32 s1, s0  }
0x8b: {  	[smem:$0x3FC3] =	sst s0  }
0x8c: {  	_ = 	snop  }
0x8d: {  	s0 =	sld [smem:$0x3FD0];
	(tm) =	ssettm $0x1  }
0x8e: {  	s16 =	sld [smem:$0x3FFB];
	_ =	sdelay $0x3  }
0x8f: {  	_ =	strace s16  }
0x90: {  	s1 =	sld [smem:$0x3FFC];
	_ =	sdelay $0x3  }
0x91: {  	_ =	strace s1  }
0x92: {  	s1 =	sld [smem:$0x3FFD];
	_ =	sdelay $0x3  }
0x93: {  	_ =	strace s1  }
0x94: {  	_ =	strace $0x8FFFFFFF  }
0x95: {  	s17 =	sld [smem:$0x3FDB];
	_ =	sdelay $0x1  }
0x96: {  	s2 =	simm.s32 $_scs_section_size  }
0x97: {  	s3 =	simm.s32 $_size__tile_overlayer_lowered;
	s4 =	simm.s32 $_tile_overlayer_lowered  }
0x98: {  	s20 =	simm.s32 $0x1BFF;
	s19 =	sshll.u32 s4, $0x1;
	s1 =	sadd.s32 s2, s17  }
0x99: {  	s5 =	simm.s32 $0x0;
	s18 =	sshll.u32 s3, $0x1;
	s3 =	sadd.s32 s19, s1  }
0x9a: {  	[timem:s5], [sflag:s20] =	dma.local [hbm:s3], s18  }
0x9b: {  	_ =	swait.ge [sflag:s20], s18  }
0x9c: {  	s2 =	ssub.s32 $0x0, s18;
	[sflag:s20] =	ssyncset.done $0x0  }
0x9d: {  	[sflag:s20] =	ssyncadd.s32 s2;
	_ =	sdelay $0x1  }
0x9e: {  	s21 =	simm.s32 $0x1B8B  }
0x9f: {  	_ =	swait.ge [sflag:s21], $0x1  }
0xa0: {  	[sflag:s21] =	ssyncset.done $0x0  }
0xa1: {  	s23 =	simm.s32 $0x1B8E;
	s22 =	sld [smem:$0x3FFE];
	[sflag:s21] =	ssyncadd.s32 $0xFFFFFFFF  }
0xa2: {  	s24 =	simm.s32 $execute0_lowered;
	[smem:$0x3FD2] =	sst s23  }
0xa3: {  	s3 =	sshll.u32 s24, $0x1;
	_ =	strace $0x80000046;
	[dreg:$0x1] =	wrdreg $0xFFFFFFFF  }
0xa4: {  	s25 =	simm.s32 $_size_execute0_lowered;
	s1 =	sadd.s32 s1, s3;
	[dreg:$0x0] =	wrdreg $0x0  }
0xa5: {  	s3 =	sshll.u32 s25, $0x1;
	[dreg:$0x2] =	wrdreg s1  }
0xa6: {  	[dreg:$0x3] =	wrdreg s3  }
0xa7: {  	[dreg:$0x4] =	wrdreg $0xC0  }
0xa8: {  	_ =	task [dreg:s5], $0x5FFFF  }
0xa9: {  	[dreg:$0x1] =	wrdreg $0xFFFFFFFF  }
0xaa: {  	[dreg:$0x0] =	wrdreg $0x60  }
0xab: {  	[dreg:$0x2] =	wrdreg s22  }
0xac: {  	[dreg:$0x3] =	wrdreg s0  }
0xad: {  	[dreg:$0x4] =	wrdreg $0x9  }
0xae: {  	_ =	task.clear_ibuf [dreg:s5], $0x5FFFF;
	_ =	strace $0x90000046  }
0xaf: {  	s26 =	simm.s32 $0x9;
	_ =	strace $0x80000048  }
0xb0: {  	_ =	swait.ge [sflag:s26], $0x1  }
0xb1: {  	[sflag:s26] =	ssyncadd.s32 $0xFFFFFFFF  }
0xb2: {  	_ =	strace $0x90000048  }
0xb3: {  	_ =	sfence  }
0xb4: {  	s28 =	sld [smem:$0x0];
	_ =	sdelay $0x1  }
0xb5: {  	s29 =	srdreg.scid  }
0xb6: {  	s30 =	sshll.u32 s29, $0xD;
	s31 =	sshrl.u32 s29, $0x2  }
0xb7: {  	s2 =	sand.u32 $0x4000, s30;
	s1 =	sand.u32 $0x1, s29;
	s0 =	sadd.s32 s31, s28  }
0xb8: {  	s1 =	sor.u32 s2, s1;
	s0 =	sshll.u32 s0, $0x11  }
0xb9: {  	s0 =	sor.u32 s0, s1  }
0xba: {  	s0 =	sadd.s32 $0x8F2B, s0  }
0xbb: {  	[sflag:s0] =	ssyncadd.remote.s32 $0x1  }
0xbc: {  	_ =	sfence.sel $0xFFFF  }
0xbd: {  	[dreg:$0x0] =	wrdreg $0xFFFFFFFF;
	(pc) =	sbr.abs _section_cstart, $3  }
0xbe: {  	[dreg:$0x1] =	wrdreg $0xFFFFFFFF  }
0xbf: {  	_ =	task.clear_ibuf [dreg:s5], $0x2FFFF;
	_ =	strace $0x9FFFFFFF  }
0xc0: {  	(tm) =	ssettm $0x7FFFFFFF  }
0xc1: {  	_ =	shalt  }
tec
execute0_lowered:
.L_overlay_start_1:
0x0: {  	(tag) =	ssettag $0x1  }
0x1: {  	s3 =	rddreg [dreg:$0x0]  }
0x2: {  	s4 =	rddreg [dreg:$0x1]  }
0x3: {  	s0 =	rddreg [dreg:$0x2];
	_ =	strace $0x80000047;
	s5 =	stileid.u32  }
0x4: {  	s6 =	simm.s32 $0x3E;
	s1 =	sadd.s32 $0x200, s3;
	p0 =	sne.s32 s5, $0x0  }
0x5: {  	[sflag:s6] =	ssyncpa.u1 $0x0;
	s7 =	simm.s32 @!p0 $0x1C3E;
	s2 =	simm.s32 @!p0 $0x0  }
0x6: {  	[spmem:s2], [sflag:s7] =	dma.local @!p0 [hbm:s1], $0x10  }
0x7: {  	s7 =	simm.s32 @!p0 $0x3E  }
0x8: {  	_ =	swait.ge @!p0 [sflag:s7], $0x10  }
0x9: {  	[sflag:s7] =	ssyncset.done @!p0 $0x0  }
0xa: {  	[sflag:s7] =	ssyncadd.s32 @!p0 $0xFFFFFFF0  }
0xb: {  	s13 =	simm.s32 $0x1;
	s14 =	simm.s32 $0x2;
	[bflag:$0x0] =	sbarrier.arrive $0xFFFF  }
0xc: {  	s8 =	simm.s32 $0x0;
	s9 =	simm.s32 $0x88;
	[sflag:s6] =	ssyncpa.u1 $0x1  }
0xd: {  	s3 =	sadd.s32 $0x400, s3;
	s5 =	sshll.u32 s5, $0x4;
	[sflag:s13] =	ssyncpa.u1 $0x0  }
0xe: {  	s4 =	sadd.s32 s4, s5;
	(ifvalue) =	ssetifvalue $0x80;
	[sflag:s14] =	ssyncpa.u1 $0x0  }
0xf: {  	[tilespmem:s9], [sflag:$0x2] =	stream.linear.gather [hbm4b:s4+s8], $0x80, $0x38;
	[tilespmem:$0x208] =	vst v63  }
0x10: {  	s15 =	simm.s32 $0x188;
	s3 =	sadd.s32 s3, s5  }
0x11: {  	[tilespmem:s15], [sflag:$0x2] =	stream.linear.gather [hbm4b:s3+s8], $0x80, $0x38;
	[tilespmem:$0x208] =	vst v63  }
0x12: {  	_ =	swait.ge [sflag:s14], $0x100  }
0x13: {  	[sflag:s14] =	ssyncset.done $0x0  }
0x14: {  	[sflag:s14] =	ssyncadd.s32 $0xFFFFFF00  }
0x15: {  	v0 =	vld.msk [tilespmem:s9+$0x0 ss:$0x1], $0xffff;
	_ =	sdelay $0x4  }
0x16: {  	v0 =	vmin.u32 v0, $0x80;
	_ =	sdelay $0x3  }
0x17: {  	vm0 =	vmmov $0xffff;
	s16 =	simm.s32 $0x98  }
0x18: {  	[spmem:s8] =	stream.indirect_vreg.scatter.add.s32 [tilespmem:s15], [sflag:$0x1], $0x1, v0, vm0, $0x4038;
	[tilespmem:$0x208] =	vst v63  }
0x19: {  	v0 =	vld.msk [tilespmem:s16+$0x0 ss:$0x1], $0xffff;
	_ =	sdelay $0x4  }
0x1a: {  	v0 =	vmin.u32 v0, $0x80;
	_ =	sdelay $0x3  }
0x1b: {  	s17 =	simm.s32 $0x198;
	s18 =	simm.s32 $0xA8  }
0x1c: {  	[spmem:s8] =	stream.indirect_vreg.scatter.add.s32 [tilespmem:s17], [sflag:$0x1], $0x1, v0, vm0, $0x4038;
	[tilespmem:$0x208] =	vst v63  }
0x1d: {  	v0 =	vld.msk [tilespmem:s18+$0x0 ss:$0x1], $0xffff;
	_ =	sdelay $0x4  }
0x1e: {  	v0 =	vmin.u32 v0, $0x80;
	_ =	sdelay $0x3  }
0x1f: {  	s19 =	simm.s32 $0x1A8;
	s20 =	simm.s32 $0xB8  }
0x20: {  	[spmem:s8] =	stream.indirect_vreg.scatter.add.s32 [tilespmem:s19], [sflag:$0x1], $0x1, v0, vm0, $0x4038;
	[tilespmem:$0x208] =	vst v63  }
0x21: {  	v0 =	vld.msk [tilespmem:s20+$0x0 ss:$0x1], $0xffff;
	_ =	sdelay $0x4  }
0x22: {  	v0 =	vmin.u32 v0, $0x80;
	_ =	sdelay $0x3  }
0x23: {  	s21 =	simm.s32 $0x1B8;
	s22 =	simm.s32 $0xC8  }
0x24: {  	[spmem:s8] =	stream.indirect_vreg.scatter.add.s32 [tilespmem:s21], [sflag:$0x1], $0x1, v0, vm0, $0x4038;
	[tilespmem:$0x208] =	vst v63  }
0x25: {  	v0 =	vld.msk [tilespmem:s22+$0x0 ss:$0x1], $0xffff;
	_ =	sdelay $0x4  }
0x26: {  	v0 =	vmin.u32 v0, $0x80;
	_ =	sdelay $0x3  }
0x27: {  	s23 =	simm.s32 $0x1C8;
	s24 =	simm.s32 $0xD8  }
0x28: {  	[spmem:s8] =	stream.indirect_vreg.scatter.add.s32 [tilespmem:s23], [sflag:$0x1], $0x1, v0, vm0, $0x4038;
	[tilespmem:$0x208] =	vst v63  }
0x29: {  	v0 =	vld.msk [tilespmem:s24+$0x0 ss:$0x1], $0xffff;
	_ =	sdelay $0x4  }
0x2a: {  	v0 =	vmin.u32 v0, $0x80;
	_ =	sdelay $0x3  }
0x2b: {  	s25 =	simm.s32 $0x1D8;
	s26 =	simm.s32 $0xE8  }
0x2c: {  	[spmem:s8] =	stream.indirect_vreg.scatter.add.s32 [tilespmem:s25], [sflag:$0x1], $0x1, v0, vm0, $0x4038;
	[tilespmem:$0x208] =	vst v63  }
0x2d: {  	v0 =	vld.msk [tilespmem:s26+$0x0 ss:$0x1], $0xffff;
	_ =	sdelay $0x4  }
0x2e: {  	v0 =	vmin.u32 v0, $0x80;
	_ =	sdelay $0x3  }
0x2f: {  	s28 =	simm.s32 $0x1E8;
	s29 =	simm.s32 $0xF8  }
0x30: {  	[spmem:s8] =	stream.indirect_vreg.scatter.add.s32 [tilespmem:s28], [sflag:$0x1], $0x1, v0, vm0, $0x4038;
	[tilespmem:$0x208] =	vst v63  }
0x31: {  	v0 =	vld.msk [tilespmem:s29+$0x0 ss:$0x1], $0xffff;
	_ =	sdelay $0x4  }
0x32: {  	v0 =	vmin.u32 v0, $0x80;
	_ =	sdelay $0x3  }
0x33: {  	s30 =	simm.s32 $0x1F8  }
0x34: {  	[spmem:s8] =	stream.indirect_vreg.scatter.add.s32 [tilespmem:s30], [sflag:$0x1], $0x1, v0, vm0, $0x4038;
	[tilespmem:$0x208] =	vst v63  }
0x35: {  	_ =	swait.ge [sflag:s13], $0x80  }
0x36: {  	[sflag:s13] =	ssyncset.done $0x0  }
0x37: {  	[sflag:s13] =	ssyncadd.s32 $0xFFFFFF80  }
0x38: {  	_ =	sfence.sel $0x180000  }
0x39: {  	[bflag:$0x0] =	sbarrier.arrive $0xFFFF  }
0x3a: {  	[sflag:s14] =	ssyncpa.u1 $0x1  }
0x3b: {  	[sflag:s13] =	ssyncpa.u1 $0x1  }
0x3c: {  	_ =	sfence.stream.spmem  }
0x3d: {  	s31 =	simm.s32 $0x3D;
	[bflag:$0x0] =	sbarrier.arrive $0xFFFF  }
0x3e: {  	s3 =	simm.s32 @p0 $0x3D;
	[sflag:s31] =	ssyncpa.u1 $0x0  }
0x3f: {  	[sflag:s3] =	ssyncpa.u1 @p0 $0x1  }
0x40: {  	[bflag:$0x0] =	sbarrier.arrive @p0 $0xFFFF  }
0x41: {  	_ =	strace @p0 $0x90000047  }
0x42: {  	s3 =	simm.s32 @!p0 $0x1C3D;
	[bflag:$0x2] =	sbarrier.arrive @p0 $0xFFFF  }
0x43: {  	[hbm:s1], [sflag:s3] =	dma.local @!p0 [spmem:s2], $0x10  }
0x44: {  	s1 =	simm.s32 @!p0 $0x3D  }
0x45: {  	_ =	swait.ge @!p0 [sflag:s1], $0x10  }
0x46: {  	[sflag:s1] =	ssyncset.done @!p0 $0x0  }
0x47: {  	[sflag:s1] =	ssyncadd.s32 @!p0 $0xFFFFFFF0  }
0x48: {  	[sflag:s1] =	ssyncpa.u1 @!p0 $0x1  }
0x49: {  	[bflag:$0x0] =	sbarrier.arrive @!p0 $0xFFFF  }
0x4a: {  	_ =	strace @!p0 $0x90000047  }
0x4b: {  	s0 =	sadd.s32 @!p0 $0x100000, s0;
	[bflag:$0x2] =	sbarrier.arrive @!p0 $0xFFFF  }
0x4c: {  	[sflag:s0] =	ssyncadd.tile.s32 @!p0 $0x1;
	_ =	shalt  }
.Lfunc_end2:
_tile_overlayer_lowered:
.L_overlay_start_2:
0x4d: {  	(tag) =	ssettag $0x2  }
0x4e: {  	s0 =	rddreg [dreg:$0x0];
	s2 =	stileid.u32  }
0x4f: {  	s1 =	rddreg [dreg:$0x1];
	p0 =	sne.s32 s2, $0x0  }
0x50: {  	s3 =	rddreg [dreg:$0x2];
	[bflag:$0x3] =	sbarrier.arrive $0xFFFF;
	s2 =	simm.s32 @!p0 $0x1C01  }
0x51: {  	[timem:s3], [sflag:s2] =	dma.local @!p0 [hbm:s0], s1  }
0x52: {  	s0 =	simm.s32 @!p0 $0x1  }
0x53: {  	_ =	swait.ge @!p0 [sflag:s0], s1  }
0x54: {  	s1 =	ssub.s32 @!p0 $0x0, s1;
	[sflag:s0] =	ssyncset.done @!p0 $0x0  }
0x55: {  	[sflag:s0] =	ssyncadd.s32 @!p0 s1  }
0x56: {  	[bflag:$0x3] =	sbarrier.arrive $0xFFFF  }
0x57: {  	_ =	shalt  }

</sc_bundles>
